<compile_context>
chip_gen: v7x
topology: tpu7x:2x2x1
jax: 0.10.2.dev20260603
libtpu: 0.0.44.dev20260713+nightly
codegen_flags: <defaults>
</compile_context>

<pallas_src>
import functools

import jax
import jax.numpy as jnp
from jax import lax
from jax.experimental import pallas as pl
from jax.experimental.pallas import tpu as pltpu
from jax.experimental.pallas import tpu_sc as plsc

_L = 16
_CHUNK = 800
_NSUB = 16
_NSC = 2


def _face_normals_impl(B, V, F):
    rounds = B // _NSC
    n_chunks = F // _CHUNK
    chunk_iters = -(-n_chunks // _NSUB)
    groups = _CHUNK // _L
    C = _CHUNK

    mesh = plsc.VectorSubcoreMesh(core_axis_name="c", subcore_axis_name="s")

    @functools.partial(
        pl.kernel,
        mesh=mesh,
        out_type=jax.ShapeDtypeStruct((3 * B * F,), jnp.float32),
        scratch_types=[
            pltpu.VMEM((C,), jnp.int32),
            pltpu.VMEM((C,), jnp.int32),
            pltpu.VMEM((C,), jnp.int32),
            pltpu.VMEM((C,), jnp.float32),
            pltpu.VMEM((C,), jnp.float32),
            pltpu.VMEM((C,), jnp.float32),
            pltpu.VMEM((C,), jnp.float32),
            pltpu.VMEM((C,), jnp.float32),
            pltpu.VMEM((C,), jnp.float32),
            pltpu.VMEM((C,), jnp.float32),
            pltpu.VMEM((C,), jnp.float32),
            pltpu.VMEM((C,), jnp.float32),
            pltpu.VMEM((C,), jnp.float32),
            pltpu.VMEM((C,), jnp.float32),
            pltpu.VMEM((C,), jnp.float32),
            pltpu.VMEM((V,), jnp.float32),
            pltpu.VMEM_SHARED((V,), jnp.float32),
            pltpu.VMEM_SHARED((V,), jnp.float32),
            pltpu.VMEM_SHARED((V,), jnp.float32),
            pltpu.SemaphoreType.DMA,
        ],
        compiler_params=pltpu.CompilerParams(needs_layout_passes=False),
    )
    def body(xp, yp, zp, fc_hbm, out_hbm,
             i0, i1, i2, x0b, y0b, z0b, x1b, y1b, z1b, x2b, y2b, z2b,
             oxb, oyb, ozb, stg, xs, ys, zs, sem):
        sc = lax.axis_index("c")
        sub = lax.axis_index("s")
        BF = B * F

        def do_round(r, _):
            m = sc * rounds + r

            plsc.subcore_barrier()

            @pl.when(sub == 0)
            def _stage_x():
                pltpu.sync_copy(xp.at[pl.ds(m * V, V)], stg)
                pltpu.sync_copy(stg, xs)

            @pl.when(sub == 1)
            def _stage_y():
                pltpu.sync_copy(yp.at[pl.ds(m * V, V)], stg)
                pltpu.sync_copy(stg, ys)

            @pl.when(sub == 2)
            def _stage_z():
                pltpu.sync_copy(zp.at[pl.ds(m * V, V)], stg)
                pltpu.sync_copy(stg, zs)

            plsc.subcore_barrier()

            def do_chunk(j, _):
                k = j * _NSUB + sub

                @pl.when(k < n_chunks)
                def _chunk():
                    p0 = m * F + k * C
                    pltpu.sync_copy(fc_hbm.at[pl.ds(p0, C)], i0)
                    pltpu.sync_copy(fc_hbm.at[pl.ds(BF + p0, C)], i1)
                    pltpu.sync_copy(fc_hbm.at[pl.ds(2 * BF + p0, C)], i2)

                    cps = [
                        pltpu.async_copy(xs.at[i0], x0b, sem),
                        pltpu.async_copy(ys.at[i0], y0b, sem),
                        pltpu.async_copy(zs.at[i0], z0b, sem),
                        pltpu.async_copy(xs.at[i1], x1b, sem),
                        pltpu.async_copy(ys.at[i1], y1b, sem),
                        pltpu.async_copy(zs.at[i1], z1b, sem),
                        pltpu.async_copy(xs.at[i2], x2b, sem),
                        pltpu.async_copy(ys.at[i2], y2b, sem),
                        pltpu.async_copy(zs.at[i2], z2b, sem),
                    ]
                    for cp in cps:
                        cp.wait()

                    def group(g, _):
                        sl = pl.ds(g * _L, _L)
                        x0 = x0b[sl]
                        y0 = y0b[sl]
                        z0 = z0b[sl]
                        x1 = x1b[sl]
                        y1 = y1b[sl]
                        z1 = z1b[sl]
                        x2 = x2b[sl]
                        y2 = y2b[sl]
                        z2 = z2b[sl]
                        e1x = x0 - x1
                        e1y = y0 - y1
                        e1z = z0 - z1
                        e2x = x2 - x1
                        e2y = y2 - y1
                        e2z = z2 - z1
                        nx = e2y * e1z - e2z * e1y
                        ny = e2z * e1x - e2x * e1z
                        nz = e2x * e1y - e2y * e1x
                        s = jnp.maximum(nx * nx + ny * ny + nz * nz, 1e-24)
                        t = plsc.bitcast(s, jnp.int32)
                        t = 0x5F3759DF - lax.shift_right_logical(t, 1)
                        y = plsc.bitcast(t, jnp.float32)
                        hs = 0.5 * s
                        y = y * (1.5 - hs * y * y)
                        y = y * (1.5 - hs * y * y)
                        y = y * (1.5 - hs * y * y)
                        oxb[sl] = nx * y
                        oyb[sl] = ny * y
                        ozb[sl] = nz * y
                        return 0

                    lax.fori_loop(0, groups, group, 0)

                    pltpu.sync_copy(oxb, out_hbm.at[pl.ds(p0, C)])
                    pltpu.sync_copy(oyb, out_hbm.at[pl.ds(BF + p0, C)])
                    pltpu.sync_copy(ozb, out_hbm.at[pl.ds(2 * BF + p0, C)])

                return 0

            lax.fori_loop(0, chunk_iters, do_chunk, 0)
            return 0

        lax.fori_loop(0, rounds, do_round, 0)

    return body


def kernel(vertices, faces):
    B, V, _ = vertices.shape
    _, F, _ = faces.shape
    vtt = jnp.transpose(vertices, (2, 0, 1))
    xp = vtt[0].reshape(B * V)
    yp = vtt[1].reshape(B * V)
    zp = vtt[2].reshape(B * V)
    fc = jnp.transpose(faces, (2, 0, 1)).reshape(3 * B * F)
    out = _face_normals_impl(B, V, F)(xp, yp, zp, fc)
    return jnp.transpose(out.reshape(3, B, F), (1, 2, 0))

# --- scband reference (transcript-rebuilt; emitter-appended) ---
"""Pipeline reference for scband-face-normals-57037165691510 (READ-ONLY COPY).

The authoritative reference and input builder live on the scoring server;
editing this copy changes nothing except your own understanding.
"""

import jax, jax.numpy as jnp
import numpy as np


def setup_inputs(seed: int = 0) -> dict:
    key = jax.random.key(seed)
    k1, k2 = jax.random.split(key)
    vertices = jax.random.normal(k1, (16, 50000, 3), dtype=jnp.float32)
    faces = jax.random.randint(k2, (16, 100000, 3), 0, 50000)
    return {"vertices": vertices, "faces": faces}


def reference(vertices, faces):
    v = vertices
    f = faces
    if v.shape[0] > 1 and f.shape[0] == 1:
        f = jnp.tile(f, (v.shape[0], 1, 1))
    # torch.gather(v_repeat, 1, f_repeat) is equivalent to per-batch vertex gather:
    # triangles[b, m, n, :] = v[b, f[b, m, n], :]  -> shape (B, F, 3, 3)
    triangles = jax.vmap(lambda vv, ff: jnp.take(vv, ff, axis=0))(v, f)
    v0 = triangles[..., 0, :]
    v1 = triangles[..., 1, :]
    v2 = triangles[..., 2, :]
    e1 = v0 - v1
    e2 = v2 - v1
    face_normals = jnp.cross(e2, e1)
    # F.normalize(x, dim=-1): x / max(||x||_2, eps), eps=1e-12
    norm = jnp.linalg.norm(face_normals, axis=-1, keepdims=True)
    face_normals = face_normals / jnp.maximum(norm, 1e-12)
    return face_normals

if __name__ == "__main__":
    import jax
    _d = setup_inputs()
    print(jax.jit(kernel)(*tuple(_d.values())))

</pallas_src>

<mosaic_0001>
#map = affine_map<(d0, d1) -> (0)>
module attributes {stable_mosaic.version = 14 : i64} {
  func.func @body(%arg0: i32, %arg1: i32, %arg2: memref<800000xf32, #tpu.memory_space<hbm>>, %arg3: memref<800000xf32, #tpu.memory_space<hbm>>, %arg4: memref<800000xf32, #tpu.memory_space<hbm>>, %arg5: memref<4800000xi32, #tpu.memory_space<hbm>>, %arg6: memref<4800000xf32, #tpu.memory_space<hbm>>, %arg7: memref<800xi32, #tpu.memory_space<vmem>>, %arg8: memref<800xi32, #tpu.memory_space<vmem>>, %arg9: memref<800xi32, #tpu.memory_space<vmem>>, %arg10: memref<800xf32, #tpu.memory_space<vmem>>, %arg11: memref<800xf32, #tpu.memory_space<vmem>>, %arg12: memref<800xf32, #tpu.memory_space<vmem>>, %arg13: memref<800xf32, #tpu.memory_space<vmem>>, %arg14: memref<800xf32, #tpu.memory_space<vmem>>, %arg15: memref<800xf32, #tpu.memory_space<vmem>>, %arg16: memref<800xf32, #tpu.memory_space<vmem>>, %arg17: memref<800xf32, #tpu.memory_space<vmem>>, %arg18: memref<800xf32, #tpu.memory_space<vmem>>, %arg19: memref<800xf32, #tpu.memory_space<vmem>>, %arg20: memref<800xf32, #tpu.memory_space<vmem>>, %arg21: memref<800xf32, #tpu.memory_space<vmem>>, %arg22: memref<50000xf32, #tpu.memory_space<vmem>>, %arg23: memref<50000xf32, #tpu.memory_space<vmem_shared>>, %arg24: memref<50000xf32, #tpu.memory_space<vmem_shared>>, %arg25: memref<50000xf32, #tpu.memory_space<vmem_shared>>, %arg26: memref<!tpu.dma_semaphore, #tpu.memory_space<semaphore_mem>>) attributes {dimension_semantics = [#tpu.dimension_semantics<core_parallel>, #tpu.dimension_semantics<subcore_parallel>], iteration_bounds = array<i64: 2, 16>, scalar_prefetch = 0 : i64, scratch_operands = 20 : i64, tpu.core_type = #tpu.core_type<sc_vector_subcore>, window_params = [{transform_indices = #map}, {transform_indices = #map}, {transform_indices = #map}, {transform_indices = #map}, {transform_indices = #map}]} {
    %scan3A = arith.constant 0 : i32
    %scan3A_0 = arith.constant 0 : i32
    %scan3A_1 = arith.constant 8 : i32
    %scan3A_2 = arith.addi %scan3A_0, %scan3A_1 : i32
    %scan3A_3 = arith.constant 1 : i32
    %scan3A_4 = scf.for %scan3A_6 = %scan3A_0 to %scan3A_2 step %scan3A_3 iter_args(%scan3A_7 = %scan3A) -> (i32)  : i32 {
      %mul3A = arith.constant 8 : i32
      %mul3A_8 = arith.muli %arg0, %mul3A : i32
      %add3A = arith.addi %mul3A_8, %scan3A_6 : i32
      %barrier3A = arith.constant 0 : index
      tpu.barrier barrier_id(%barrier3A)
      %eq3A = arith.constant 0 : i32
      %eq3A_9 = arith.cmpi eq, %arg1, %eq3A : i32
      %convert_element_type3A = arith.extui %eq3A_9 : i1 to i32
      %cond3A = arith.constant 0 : i32
      %cond3A_10 = arith.cmpi ne, %convert_element_type3A, %cond3A : i32
      scf.if %cond3A_10 {
        %mul3A_30 = arith.constant 50000 : i32
        %mul3A_31 = arith.muli %add3A, %mul3A_30 : i32
        "tpu.region"() ({
          %run_scoped3A = tpu.sem_alloc : memref<!tpu.dma_semaphore, #tpu.memory_space<semaphore_mem>>
          %dma_start3A = tpu.memref_slice %arg2[%mul3A_31] : memref<800000xf32, #tpu.memory_space<hbm>> -> memref<50000xf32, #tpu.memory_space<hbm>>
          %dma_start3A_32 = tpu.memref_slice %arg2[%mul3A_31] : memref<800000xf32, #tpu.memory_space<hbm>> -> memref<50000xf32, #tpu.memory_space<hbm>>
          tpu.enqueue_dma source(%dma_start3A_32 : memref<50000xf32, #tpu.memory_space<hbm>>) target(%arg22 : memref<50000xf32, #tpu.memory_space<vmem>>) target_semaphore(%run_scoped3A : memref<!tpu.dma_semaphore, #tpu.memory_space<semaphore_mem>>)
          %dma_wait3A = tpu.memref_slice %arg2[%mul3A_31] : memref<800000xf32, #tpu.memory_space<hbm>> -> memref<50000xf32, #tpu.memory_space<hbm>>
          %dma_wait3A_33 = tpu.memref_slice %arg2[%mul3A_31] : memref<800000xf32, #tpu.memory_space<hbm>> -> memref<50000xf32, #tpu.memory_space<hbm>>
          tpu.wait_dma2 semaphore(%run_scoped3A : memref<!tpu.dma_semaphore, #tpu.memory_space<semaphore_mem>>) src(%dma_wait3A_33 : memref<50000xf32, #tpu.memory_space<hbm>>) dst(%arg22 : memref<50000xf32, #tpu.memory_space<vmem>>)
          tpu.yield
        }) : () -> ()
        "tpu.region"() ({
          %run_scoped3A = tpu.sem_alloc : memref<!tpu.dma_semaphore, #tpu.memory_space<semaphore_mem>>
          tpu.enqueue_dma source(%arg22 : memref<50000xf32, #tpu.memory_space<vmem>>) target(%arg23 : memref<50000xf32, #tpu.memory_space<vmem_shared>>) target_semaphore(%run_scoped3A : memref<!tpu.dma_semaphore, #tpu.memory_space<semaphore_mem>>)
          tpu.wait_dma2 semaphore(%run_scoped3A : memref<!tpu.dma_semaphore, #tpu.memory_space<semaphore_mem>>) src(%arg22 : memref<50000xf32, #tpu.memory_space<vmem>>) dst(%arg23 : memref<50000xf32, #tpu.memory_space<vmem_shared>>)
          tpu.yield
        }) : () -> ()
      } else {
      }
      %eq3A_11 = arith.constant 1 : i32
      %eq3A_12 = arith.cmpi eq, %arg1, %eq3A_11 : i32
      %convert_element_type3A_13 = arith.extui %eq3A_12 : i1 to i32
      %cond3A_14 = arith.constant 0 : i32
      %cond3A_15 = arith.cmpi ne, %convert_element_type3A_13, %cond3A_14 : i32
      scf.if %cond3A_15 {
        %mul3A_30 = arith.constant 50000 : i32
        %mul3A_31 = arith.muli %add3A, %mul3A_30 : i32
        "tpu.region"() ({
          %run_scoped3A = tpu.sem_alloc : memref<!tpu.dma_semaphore, #tpu.memory_space<semaphore_mem>>
          %dma_start3A = tpu.memref_slice %arg3[%mul3A_31] : memref<800000xf32, #tpu.memory_space<hbm>> -> memref<50000xf32, #tpu.memory_space<hbm>>
          %dma_start3A_32 = tpu.memref_slice %arg3[%mul3A_31] : memref<800000xf32, #tpu.memory_space<hbm>> -> memref<50000xf32, #tpu.memory_space<hbm>>
          tpu.enqueue_dma source(%dma_start3A_32 : memref<50000xf32, #tpu.memory_space<hbm>>) target(%arg22 : memref<50000xf32, #tpu.memory_space<vmem>>) target_semaphore(%run_scoped3A : memref<!tpu.dma_semaphore, #tpu.memory_space<semaphore_mem>>)
          %dma_wait3A = tpu.memref_slice %arg3[%mul3A_31] : memref<800000xf32, #tpu.memory_space<hbm>> -> memref<50000xf32, #tpu.memory_space<hbm>>
          %dma_wait3A_33 = tpu.memref_slice %arg3[%mul3A_31] : memref<800000xf32, #tpu.memory_space<hbm>> -> memref<50000xf32, #tpu.memory_space<hbm>>
          tpu.wait_dma2 semaphore(%run_scoped3A : memref<!tpu.dma_semaphore, #tpu.memory_space<semaphore_mem>>) src(%dma_wait3A_33 : memref<50000xf32, #tpu.memory_space<hbm>>) dst(%arg22 : memref<50000xf32, #tpu.memory_space<vmem>>)
          tpu.yield
        }) : () -> ()
        "tpu.region"() ({
          %run_scoped3A = tpu.sem_alloc : memref<!tpu.dma_semaphore, #tpu.memory_space<semaphore_mem>>
          tpu.enqueue_dma source(%arg22 : memref<50000xf32, #tpu.memory_space<vmem>>) target(%arg24 : memref<50000xf32, #tpu.memory_space<vmem_shared>>) target_semaphore(%run_scoped3A : memref<!tpu.dma_semaphore, #tpu.memory_space<semaphore_mem>>)
          tpu.wait_dma2 semaphore(%run_scoped3A : memref<!tpu.dma_semaphore, #tpu.memory_space<semaphore_mem>>) src(%arg22 : memref<50000xf32, #tpu.memory_space<vmem>>) dst(%arg24 : memref<50000xf32, #tpu.memory_space<vmem_shared>>)
          tpu.yield
        }) : () -> ()
      } else {
      }
      %eq3A_16 = arith.constant 2 : i32
      %eq3A_17 = arith.cmpi eq, %arg1, %eq3A_16 : i32
      %convert_element_type3A_18 = arith.extui %eq3A_17 : i1 to i32
      %cond3A_19 = arith.constant 0 : i32
      %cond3A_20 = arith.cmpi ne, %convert_element_type3A_18, %cond3A_19 : i32
      scf.if %cond3A_20 {
        %mul3A_30 = arith.constant 50000 : i32
        %mul3A_31 = arith.muli %add3A, %mul3A_30 : i32
        "tpu.region"() ({
          %run_scoped3A = tpu.sem_alloc : memref<!tpu.dma_semaphore, #tpu.memory_space<semaphore_mem>>
          %dma_start3A = tpu.memref_slice %arg4[%mul3A_31] : memref<800000xf32, #tpu.memory_space<hbm>> -> memref<50000xf32, #tpu.memory_space<hbm>>
          %dma_start3A_32 = tpu.memref_slice %arg4[%mul3A_31] : memref<800000xf32, #tpu.memory_space<hbm>> -> memref<50000xf32, #tpu.memory_space<hbm>>
          tpu.enqueue_dma source(%dma_start3A_32 : memref<50000xf32, #tpu.memory_space<hbm>>) target(%arg22 : memref<50000xf32, #tpu.memory_space<vmem>>) target_semaphore(%run_scoped3A : memref<!tpu.dma_semaphore, #tpu.memory_space<semaphore_mem>>)
          %dma_wait3A = tpu.memref_slice %arg4[%mul3A_31] : memref<800000xf32, #tpu.memory_space<hbm>> -> memref<50000xf32, #tpu.memory_space<hbm>>
          %dma_wait3A_33 = tpu.memref_slice %arg4[%mul3A_31] : memref<800000xf32, #tpu.memory_space<hbm>> -> memref<50000xf32, #tpu.memory_space<hbm>>
          tpu.wait_dma2 semaphore(%run_scoped3A : memref<!tpu.dma_semaphore, #tpu.memory_space<semaphore_mem>>) src(%dma_wait3A_33 : memref<50000xf32, #tpu.memory_space<hbm>>) dst(%arg22 : memref<50000xf32, #tpu.memory_space<vmem>>)
          tpu.yield
        }) : () -> ()
        "tpu.region"() ({
          %run_scoped3A = tpu.sem_alloc : memref<!tpu.dma_semaphore, #tpu.memory_space<semaphore_mem>>
          tpu.enqueue_dma source(%arg22 : memref<50000xf32, #tpu.memory_space<vmem>>) target(%arg25 : memref<50000xf32, #tpu.memory_space<vmem_shared>>) target_semaphore(%run_scoped3A : memref<!tpu.dma_semaphore, #tpu.memory_space<semaphore_mem>>)
          tpu.wait_dma2 semaphore(%run_scoped3A : memref<!tpu.dma_semaphore, #tpu.memory_space<semaphore_mem>>) src(%arg22 : memref<50000xf32, #tpu.memory_space<vmem>>) dst(%arg25 : memref<50000xf32, #tpu.memory_space<vmem_shared>>)
          tpu.yield
        }) : () -> ()
      } else {
      }
      %barrier3A_21 = arith.constant 0 : index
      tpu.barrier barrier_id(%barrier3A_21)
      %scan3A_22 = arith.constant 0 : i32
      %scan3A_23 = arith.constant 0 : i32
      %scan3A_24 = arith.constant 8 : i32
      %scan3A_25 = arith.addi %scan3A_23, %scan3A_24 : i32
      %scan3A_26 = arith.constant 1 : i32
      %scan3A_27 = scf.for %scan3A_30 = %scan3A_23 to %scan3A_25 step %scan3A_26 iter_args(%scan3A_31 = %scan3A_22) -> (i32)  : i32 {
        %mul3A_32 = arith.constant 16 : i32
        %mul3A_33 = arith.muli %scan3A_30, %mul3A_32 : i32
        %add3A_34 = arith.addi %mul3A_33, %arg1 : i32
        %lt3A = arith.constant 125 : i32
        %lt3A_35 = arith.cmpi slt, %add3A_34, %lt3A : i32
        %convert_element_type3A_36 = arith.extui %lt3A_35 : i1 to i32
        %cond3A_37 = arith.constant 0 : i32
        %cond3A_38 = arith.cmpi ne, %convert_element_type3A_36, %cond3A_37 : i32
        scf.if %cond3A_38 {
          %mul3A_40 = arith.constant 100000 : i32
          %mul3A_41 = arith.muli %add3A, %mul3A_40 : i32
          %mul3A_42 = arith.constant 800 : i32
          %mul3A_43 = arith.muli %add3A_34, %mul3A_42 : i32
          %add3A_44 = arith.addi %mul3A_41, %mul3A_43 : i32
          "tpu.region"() ({
            %run_scoped3A = tpu.sem_alloc : memref<!tpu.dma_semaphore, #tpu.memory_space<semaphore_mem>>
            %dma_start3A_94 = tpu.memref_slice %arg5[%add3A_44] : memref<4800000xi32, #tpu.memory_space<hbm>> -> memref<800xi32, #tpu.memory_space<hbm>>
            %dma_start3A_95 = tpu.memref_slice %arg5[%add3A_44] : memref<4800000xi32, #tpu.memory_space<hbm>> -> memref<800xi32, #tpu.memory_space<hbm>>
            tpu.enqueue_dma source(%dma_start3A_95 : memref<800xi32, #tpu.memory_space<hbm>>) target(%arg7 : memref<800xi32, #tpu.memory_space<vmem>>) target_semaphore(%run_scoped3A : memref<!tpu.dma_semaphore, #tpu.memory_space<semaphore_mem>>)
            %dma_wait3A_96 = tpu.memref_slice %arg5[%add3A_44] : memref<4800000xi32, #tpu.memory_space<hbm>> -> memref<800xi32, #tpu.memory_space<hbm>>
            %dma_wait3A_97 = tpu.memref_slice %arg5[%add3A_44] : memref<4800000xi32, #tpu.memory_space<hbm>> -> memref<800xi32, #tpu.memory_space<hbm>>
            tpu.wait_dma2 semaphore(%run_scoped3A : memref<!tpu.dma_semaphore, #tpu.memory_space<semaphore_mem>>) src(%dma_wait3A_97 : memref<800xi32, #tpu.memory_space<hbm>>) dst(%arg7 : memref<800xi32, #tpu.memory_space<vmem>>)
            tpu.yield
          }) : () -> ()
          %add3A_45 = arith.constant 1600000 : i32
          %add3A_46 = arith.addi %add3A_45, %add3A_44 : i32
          "tpu.region"() ({
            %run_scoped3A = tpu.sem_alloc : memref<!tpu.dma_semaphore, #tpu.memory_space<semaphore_mem>>
            %dma_start3A_94 = tpu.memref_slice %arg5[%add3A_46] : memref<4800000xi32, #tpu.memory_space<hbm>> -> memref<800xi32, #tpu.memory_space<hbm>>
            %dma_start3A_95 = tpu.memref_slice %arg5[%add3A_46] : memref<4800000xi32, #tpu.memory_space<hbm>> -> memref<800xi32, #tpu.memory_space<hbm>>
            tpu.enqueue_dma source(%dma_start3A_95 : memref<800xi32, #tpu.memory_space<hbm>>) target(%arg8 : memref<800xi32, #tpu.memory_space<vmem>>) target_semaphore(%run_scoped3A : memref<!tpu.dma_semaphore, #tpu.memory_space<semaphore_mem>>)
            %dma_wait3A_96 = tpu.memref_slice %arg5[%add3A_46] : memref<4800000xi32, #tpu.memory_space<hbm>> -> memref<800xi32, #tpu.memory_space<hbm>>
            %dma_wait3A_97 = tpu.memref_slice %arg5[%add3A_46] : memref<4800000xi32, #tpu.memory_space<hbm>> -> memref<800xi32, #tpu.memory_space<hbm>>
            tpu.wait_dma2 semaphore(%run_scoped3A : memref<!tpu.dma_semaphore, #tpu.memory_space<semaphore_mem>>) src(%dma_wait3A_97 : memref<800xi32, #tpu.memory_space<hbm>>) dst(%arg8 : memref<800xi32, #tpu.memory_space<vmem>>)
            tpu.yield
          }) : () -> ()
          %add3A_47 = arith.constant 3200000 : i32
          %add3A_48 = arith.addi %add3A_47, %add3A_44 : i32
          "tpu.region"() ({
            %run_scoped3A = tpu.sem_alloc : memref<!tpu.dma_semaphore, #tpu.memory_space<semaphore_mem>>
            %dma_start3A_94 = tpu.memref_slice %arg5[%add3A_48] : memref<4800000xi32, #tpu.memory_space<hbm>> -> memref<800xi32, #tpu.memory_space<hbm>>
            %dma_start3A_95 = tpu.memref_slice %arg5[%add3A_48] : memref<4800000xi32, #tpu.memory_space<hbm>> -> memref<800xi32, #tpu.memory_space<hbm>>
            tpu.enqueue_dma source(%dma_start3A_95 : memref<800xi32, #tpu.memory_space<hbm>>) target(%arg9 : memref<800xi32, #tpu.memory_space<vmem>>) target_semaphore(%run_scoped3A : memref<!tpu.dma_semaphore, #tpu.memory_space<semaphore_mem>>)
            %dma_wait3A_96 = tpu.memref_slice %arg5[%add3A_48] : memref<4800000xi32, #tpu.memory_space<hbm>> -> memref<800xi32, #tpu.memory_space<hbm>>
            %dma_wait3A_97 = tpu.memref_slice %arg5[%add3A_48] : memref<4800000xi32, #tpu.memory_space<hbm>> -> memref<800xi32, #tpu.memory_space<hbm>>
            tpu.wait_dma2 semaphore(%run_scoped3A : memref<!tpu.dma_semaphore, #tpu.memory_space<semaphore_mem>>) src(%dma_wait3A_97 : memref<800xi32, #tpu.memory_space<hbm>>) dst(%arg9 : memref<800xi32, #tpu.memory_space<vmem>>)
            tpu.yield
          }) : () -> ()
          %dma_start3A = arith.constant 0 : i32
          %dma_start3A_49 = tpu.memref_slice %arg23[%dma_start3A] : memref<50000xf32, #tpu.memory_space<vmem_shared>> -> memref<50000xf32, #tpu.memory_space<vmem_shared>>
          tpu.enqueue_indirect_dma source(%dma_start3A_49 : memref<50000xf32, #tpu.memory_space<vmem_shared>>) target(%arg10 : memref<800xf32, #tpu.memory_space<vmem>>) offsets(%arg7 : memref<800xi32, #tpu.memory_space<vmem>>) semaphore(%arg26 : memref<!tpu.dma_semaphore, #tpu.memory_space<semaphore_mem>>)
          %dma_start3A_50 = arith.constant 0 : i32
          %dma_start3A_51 = tpu.memref_slice %arg24[%dma_start3A_50] : memref<50000xf32, #tpu.memory_space<vmem_shared>> -> memref<50000xf32, #tpu.memory_space<vmem_shared>>
          tpu.enqueue_indirect_dma source(%dma_start3A_51 : memref<50000xf32, #tpu.memory_space<vmem_shared>>) target(%arg11 : memref<800xf32, #tpu.memory_space<vmem>>) offsets(%arg7 : memref<800xi32, #tpu.memory_space<vmem>>) semaphore(%arg26 : memref<!tpu.dma_semaphore, #tpu.memory_space<semaphore_mem>>)
          %dma_start3A_52 = arith.constant 0 : i32
          %dma_start3A_53 = tpu.memref_slice %arg25[%dma_start3A_52] : memref<50000xf32, #tpu.memory_space<vmem_shared>> -> memref<50000xf32, #tpu.memory_space<vmem_shared>>
          tpu.enqueue_indirect_dma source(%dma_start3A_53 : memref<50000xf32, #tpu.memory_space<vmem_shared>>) target(%arg12 : memref<800xf32, #tpu.memory_space<vmem>>) offsets(%arg7 : memref<800xi32, #tpu.memory_space<vmem>>) semaphore(%arg26 : memref<!tpu.dma_semaphore, #tpu.memory_space<semaphore_mem>>)
          %dma_start3A_54 = arith.constant 0 : i32
          %dma_start3A_55 = tpu.memref_slice %arg23[%dma_start3A_54] : memref<50000xf32, #tpu.memory_space<vmem_shared>> -> memref<50000xf32, #tpu.memory_space<vmem_shared>>
          tpu.enqueue_indirect_dma source(%dma_start3A_55 : memref<50000xf32, #tpu.memory_space<vmem_shared>>) target(%arg13 : memref<800xf32, #tpu.memory_space<vmem>>) offsets(%arg8 : memref<800xi32, #tpu.memory_space<vmem>>) semaphore(%arg26 : memref<!tpu.dma_semaphore, #tpu.memory_space<semaphore_mem>>)
          %dma_start3A_56 = arith.constant 0 : i32
          %dma_start3A_57 = tpu.memref_slice %arg24[%dma_start3A_56] : memref<50000xf32, #tpu.memory_space<vmem_shared>> -> memref<50000xf32, #tpu.memory_space<vmem_shared>>
          tpu.enqueue_indirect_dma source(%dma_start3A_57 : memref<50000xf32, #tpu.memory_space<vmem_shared>>) target(%arg14 : memref<800xf32, #tpu.memory_space<vmem>>) offsets(%arg8 : memref<800xi32, #tpu.memory_space<vmem>>) semaphore(%arg26 : memref<!tpu.dma_semaphore, #tpu.memory_space<semaphore_mem>>)
          %dma_start3A_58 = arith.constant 0 : i32
          %dma_start3A_59 = tpu.memref_slice %arg25[%dma_start3A_58] : memref<50000xf32, #tpu.memory_space<vmem_shared>> -> memref<50000xf32, #tpu.memory_space<vmem_shared>>
          tpu.enqueue_indirect_dma source(%dma_start3A_59 : memref<50000xf32, #tpu.memory_space<vmem_shared>>) target(%arg15 : memref<800xf32, #tpu.memory_space<vmem>>) offsets(%arg8 : memref<800xi32, #tpu.memory_space<vmem>>) semaphore(%arg26 : memref<!tpu.dma_semaphore, #tpu.memory_space<semaphore_mem>>)
          %dma_start3A_60 = arith.constant 0 : i32
          %dma_start3A_61 = tpu.memref_slice %arg23[%dma_start3A_60] : memref<50000xf32, #tpu.memory_space<vmem_shared>> -> memref<50000xf32, #tpu.memory_space<vmem_shared>>
          tpu.enqueue_indirect_dma source(%dma_start3A_61 : memref<50000xf32, #tpu.memory_space<vmem_shared>>) target(%arg16 : memref<800xf32, #tpu.memory_space<vmem>>) offsets(%arg9 : memref<800xi32, #tpu.memory_space<vmem>>) semaphore(%arg26 : memref<!tpu.dma_semaphore, #tpu.memory_space<semaphore_mem>>)
          %dma_start3A_62 = arith.constant 0 : i32
          %dma_start3A_63 = tpu.memref_slice %arg24[%dma_start3A_62] : memref<50000xf32, #tpu.memory_space<vmem_shared>> -> memref<50000xf32, #tpu.memory_space<vmem_shared>>
          tpu.enqueue_indirect_dma source(%dma_start3A_63 : memref<50000xf32, #tpu.memory_space<vmem_shared>>) target(%arg17 : memref<800xf32, #tpu.memory_space<vmem>>) offsets(%arg9 : memref<800xi32, #tpu.memory_space<vmem>>) semaphore(%arg26 : memref<!tpu.dma_semaphore, #tpu.memory_space<semaphore_mem>>)
          %dma_start3A_64 = arith.constant 0 : i32
          %dma_start3A_65 = tpu.memref_slice %arg25[%dma_start3A_64] : memref<50000xf32, #tpu.memory_space<vmem_shared>> -> memref<50000xf32, #tpu.memory_space<vmem_shared>>
          tpu.enqueue_indirect_dma source(%dma_start3A_65 : memref<50000xf32, #tpu.memory_space<vmem_shared>>) target(%arg18 : memref<800xf32, #tpu.memory_space<vmem>>) offsets(%arg9 : memref<800xi32, #tpu.memory_space<vmem>>) semaphore(%arg26 : memref<!tpu.dma_semaphore, #tpu.memory_space<semaphore_mem>>)
          %dma_wait3A = arith.constant 0 : i32
          %dma_wait3A_66 = tpu.memref_slice %arg23[%dma_wait3A] : memref<50000xf32, #tpu.memory_space<vmem_shared>> -> memref<50000xf32, #tpu.memory_space<vmem_shared>>
          tpu.wait_indirect_dma semaphore(%arg26 : memref<!tpu.dma_semaphore, #tpu.memory_space<semaphore_mem>>) src(%dma_wait3A_66 : memref<50000xf32, #tpu.memory_space<vmem_shared>>) dst(%arg10 : memref<800xf32, #tpu.memory_space<vmem>>)
          %dma_wait3A_67 = arith.constant 0 : i32
          %dma_wait3A_68 = tpu.memref_slice %arg24[%dma_wait3A_67] : memref<50000xf32, #tpu.memory_space<vmem_shared>> -> memref<50000xf32, #tpu.memory_space<vmem_shared>>
          tpu.wait_indirect_dma semaphore(%arg26 : memref<!tpu.dma_semaphore, #tpu.memory_space<semaphore_mem>>) src(%dma_wait3A_68 : memref<50000xf32, #tpu.memory_space<vmem_shared>>) dst(%arg11 : memref<800xf32, #tpu.memory_space<vmem>>)
          %dma_wait3A_69 = arith.constant 0 : i32
          %dma_wait3A_70 = tpu.memref_slice %arg25[%dma_wait3A_69] : memref<50000xf32, #tpu.memory_space<vmem_shared>> -> memref<50000xf32, #tpu.memory_space<vmem_shared>>
          tpu.wait_indirect_dma semaphore(%arg26 : memref<!tpu.dma_semaphore, #tpu.memory_space<semaphore_mem>>) src(%dma_wait3A_70 : memref<50000xf32, #tpu.memory_space<vmem_shared>>) dst(%arg12 : memref<800xf32, #tpu.memory_space<vmem>>)
          %dma_wait3A_71 = arith.constant 0 : i32
          %dma_wait3A_72 = tpu.memref_slice %arg23[%dma_wait3A_71] : memref<50000xf32, #tpu.memory_space<vmem_shared>> -> memref<50000xf32, #tpu.memory_space<vmem_shared>>
          tpu.wait_indirect_dma semaphore(%arg26 : memref<!tpu.dma_semaphore, #tpu.memory_space<semaphore_mem>>) src(%dma_wait3A_72 : memref<50000xf32, #tpu.memory_space<vmem_shared>>) dst(%arg13 : memref<800xf32, #tpu.memory_space<vmem>>)
          %dma_wait3A_73 = arith.constant 0 : i32
          %dma_wait3A_74 = tpu.memref_slice %arg24[%dma_wait3A_73] : memref<50000xf32, #tpu.memory_space<vmem_shared>> -> memref<50000xf32, #tpu.memory_space<vmem_shared>>
          tpu.wait_indirect_dma semaphore(%arg26 : memref<!tpu.dma_semaphore, #tpu.memory_space<semaphore_mem>>) src(%dma_wait3A_74 : memref<50000xf32, #tpu.memory_space<vmem_shared>>) dst(%arg14 : memref<800xf32, #tpu.memory_space<vmem>>)
          %dma_wait3A_75 = arith.constant 0 : i32
          %dma_wait3A_76 = tpu.memref_slice %arg25[%dma_wait3A_75] : memref<50000xf32, #tpu.memory_space<vmem_shared>> -> memref<50000xf32, #tpu.memory_space<vmem_shared>>
          tpu.wait_indirect_dma semaphore(%arg26 : memref<!tpu.dma_semaphore, #tpu.memory_space<semaphore_mem>>) src(%dma_wait3A_76 : memref<50000xf32, #tpu.memory_space<vmem_shared>>) dst(%arg15 : memref<800xf32, #tpu.memory_space<vmem>>)
          %dma_wait3A_77 = arith.constant 0 : i32
          %dma_wait3A_78 = tpu.memref_slice %arg23[%dma_wait3A_77] : memref<50000xf32, #tpu.memory_space<vmem_shared>> -> memref<50000xf32, #tpu.memory_space<vmem_shared>>
          tpu.wait_indirect_dma semaphore(%arg26 : memref<!tpu.dma_semaphore, #tpu.memory_space<semaphore_mem>>) src(%dma_wait3A_78 : memref<50000xf32, #tpu.memory_space<vmem_shared>>) dst(%arg16 : memref<800xf32, #tpu.memory_space<vmem>>)
          %dma_wait3A_79 = arith.constant 0 : i32
          %dma_wait3A_80 = tpu.memref_slice %arg24[%dma_wait3A_79] : memref<50000xf32, #tpu.memory_space<vmem_shared>> -> memref<50000xf32, #tpu.memory_space<vmem_shared>>
          tpu.wait_indirect_dma semaphore(%arg26 : memref<!tpu.dma_semaphore, #tpu.memory_space<semaphore_mem>>) src(%dma_wait3A_80 : memref<50000xf32, #tpu.memory_space<vmem_shared>>) dst(%arg17 : memref<800xf32, #tpu.memory_space<vmem>>)
          %dma_wait3A_81 = arith.constant 0 : i32
          %dma_wait3A_82 = tpu.memref_slice %arg25[%dma_wait3A_81] : memref<50000xf32, #tpu.memory_space<vmem_shared>> -> memref<50000xf32, #tpu.memory_space<vmem_shared>>
          tpu.wait_indirect_dma semaphore(%arg26 : memref<!tpu.dma_semaphore, #tpu.memory_space<semaphore_mem>>) src(%dma_wait3A_82 : memref<50000xf32, #tpu.memory_space<vmem_shared>>) dst(%arg18 : memref<800xf32, #tpu.memory_space<vmem>>)
          %scan3A_83 = arith.constant 0 : i32
          %scan3A_84 = arith.constant 0 : i32
          %scan3A_85 = arith.constant 50 : i32
          %scan3A_86 = arith.addi %scan3A_84, %scan3A_85 : i32
          %scan3A_87 = arith.constant 1 : i32
          %scan3A_88 = scf.for %scan3A_94 = %scan3A_84 to %scan3A_86 step %scan3A_87 iter_args(%scan3A_95 = %scan3A_83) -> (i32)  : i32 {
            %mul3A_96 = arith.constant 16 : i32
            %mul3A_97 = arith.muli %scan3A_94, %mul3A_96 : i32
            %get3A = arith.index_cast %mul3A_97 : i32 to index
            %get3A_98 = tpu.vector_load %arg10[%get3A] {strides = array<i32>} : memref<800xf32, #tpu.memory_space<vmem>>, vector<16xf32>,
            %get3A_99 = arith.index_cast %mul3A_97 : i32 to index
            %get3A_100 = tpu.vector_load %arg11[%get3A_99] {strides = array<i32>} : memref<800xf32, #tpu.memory_space<vmem>>, vector<16xf32>,
            %get3A_101 = arith.index_cast %mul3A_97 : i32 to index
            %get3A_102 = tpu.vector_load %arg12[%get3A_101] {strides = array<i32>} : memref<800xf32, #tpu.memory_space<vmem>>, vector<16xf32>,
            %get3A_103 = arith.index_cast %mul3A_97 : i32 to index
            %get3A_104 = tpu.vector_load %arg13[%get3A_103] {strides = array<i32>} : memref<800xf32, #tpu.memory_space<vmem>>, vector<16xf32>,
            %get3A_105 = arith.index_cast %mul3A_97 : i32 to index
            %get3A_106 = tpu.vector_load %arg14[%get3A_105] {strides = array<i32>} : memref<800xf32, #tpu.memory_space<vmem>>, vector<16xf32>,
            %get3A_107 = arith.index_cast %mul3A_97 : i32 to index
            %get3A_108 = tpu.vector_load %arg15[%get3A_107] {strides = array<i32>} : memref<800xf32, #tpu.memory_space<vmem>>, vector<16xf32>,
            %get3A_109 = arith.index_cast %mul3A_97 : i32 to index
            %get3A_110 = tpu.vector_load %arg16[%get3A_109] {strides = array<i32>} : memref<800xf32, #tpu.memory_space<vmem>>, vector<16xf32>,
            %get3A_111 = arith.index_cast %mul3A_97 : i32 to index
            %get3A_112 = tpu.vector_load %arg17[%get3A_111] {strides = array<i32>} : memref<800xf32, #tpu.memory_space<vmem>>, vector<16xf32>,
            %get3A_113 = arith.index_cast %mul3A_97 : i32 to index
            %get3A_114 = tpu.vector_load %arg18[%get3A_113] {strides = array<i32>} : memref<800xf32, #tpu.memory_space<vmem>>, vector<16xf32>,
            %sub3A = arith.subf %get3A_98, %get3A_104 : vector<16xf32>
            %sub3A_115 = arith.subf %get3A_100, %get3A_106 : vector<16xf32>
            %sub3A_116 = arith.subf %get3A_102, %get3A_108 : vector<16xf32>
            %sub3A_117 = arith.subf %get3A_110, %get3A_104 : vector<16xf32>
            %sub3A_118 = arith.subf %get3A_112, %get3A_106 : vector<16xf32>
            %sub3A_119 = arith.subf %get3A_114, %get3A_108 : vector<16xf32>
            %mul3A_120 = arith.mulf %sub3A_118, %sub3A_116 : vector<16xf32>
            %mul3A_121 = arith.mulf %sub3A_119, %sub3A_115 : vector<16xf32>
            %sub3A_122 = arith.subf %mul3A_120, %mul3A_121 : vector<16xf32>
            %mul3A_123 = arith.mulf %sub3A_119, %sub3A : vector<16xf32>
            %mul3A_124 = arith.mulf %sub3A_117, %sub3A_116 : vector<16xf32>
            %sub3A_125 = arith.subf %mul3A_123, %mul3A_124 : vector<16xf32>
            %mul3A_126 = arith.mulf %sub3A_117, %sub3A_115 : vector<16xf32>
            %mul3A_127 = arith.mulf %sub3A_118, %sub3A : vector<16xf32>
            %sub3A_128 = arith.subf %mul3A_126, %mul3A_127 : vector<16xf32>
            %mul3A_129 = arith.mulf %sub3A_122, %sub3A_122 : vector<16xf32>
            %mul3A_130 = arith.mulf %sub3A_125, %sub3A_125 : vector<16xf32>
            %add3A_131 = arith.addf %mul3A_129, %mul3A_130 : vector<16xf32>
            %mul3A_132 = arith.mulf %sub3A_128, %sub3A_128 : vector<16xf32>
            %add3A_133 = arith.addf %add3A_131, %mul3A_132 : vector<16xf32>
            %max3A = arith.constant 1.000000e-24 : f32
            %max3A_134 = vector.broadcast %max3A : f32 to vector<16xf32>
            %max3A_135 = arith.maximumf %add3A_133, %max3A_134 : vector<16xf32>
            %bitcast3A = vector.bitcast %max3A_135 : vector<16xf32> to vector<16xi32>
            %shift_right_logical3A = arith.constant 1 : i32
            %shift_right_logical3A_136 = vector.broadcast %shift_right_logical3A : i32 to vector<16xi32>
            %shift_right_logical3A_137 = arith.shrui %bitcast3A, %shift_right_logical3A_136 : vector<16xi32>
            %sub3A_138 = arith.constant 1597463007 : i32
            %sub3A_139 = vector.broadcast %sub3A_138 : i32 to vector<16xi32>
            %sub3A_140 = arith.subi %sub3A_139, %shift_right_logical3A_137 : vector<16xi32>
            %bitcast3A_141 = vector.bitcast %sub3A_140 : vector<16xi32> to vector<16xf32>
            %mul3A_142 = arith.constant 5.000000e-01 : f32
            %mul3A_143 = vector.broadcast %mul3A_142 : f32 to vector<16xf32>
            %mul3A_144 = arith.mulf %mul3A_143, %max3A_135 : vector<16xf32>
            %mul3A_145 = arith.mulf %mul3A_144, %bitcast3A_141 : vector<16xf32>
            %mul3A_146 = arith.mulf %mul3A_145, %bitcast3A_141 : vector<16xf32>
            %sub3A_147 = arith.constant 1.500000e+00 : f32
            %sub3A_148 = vector.broadcast %sub3A_147 : f32 to vector<16xf32>
            %sub3A_149 = arith.subf %sub3A_148, %mul3A_146 : vector<16xf32>
            %mul3A_150 = arith.mulf %bitcast3A_141, %sub3A_149 : vector<16xf32>
            %mul3A_151 = arith.mulf %mul3A_144, %mul3A_150 : vector<16xf32>
            %mul3A_152 = arith.mulf %mul3A_151, %mul3A_150 : vector<16xf32>
            %sub3A_153 = arith.constant 1.500000e+00 : f32
            %sub3A_154 = vector.broadcast %sub3A_153 : f32 to vector<16xf32>
            %sub3A_155 = arith.subf %sub3A_154, %mul3A_152 : vector<16xf32>
            %mul3A_156 = arith.mulf %mul3A_150, %sub3A_155 : vector<16xf32>
            %mul3A_157 = arith.mulf %mul3A_144, %mul3A_156 : vector<16xf32>
            %mul3A_158 = arith.mulf %mul3A_157, %mul3A_156 : vector<16xf32>
            %sub3A_159 = arith.constant 1.500000e+00 : f32
            %sub3A_160 = vector.broadcast %sub3A_159 : f32 to vector<16xf32>
            %sub3A_161 = arith.subf %sub3A_160, %mul3A_158 : vector<16xf32>
            %mul3A_162 = arith.mulf %mul3A_156, %sub3A_161 : vector<16xf32>
            %mul3A_163 = arith.mulf %sub3A_122, %mul3A_162 : vector<16xf32>
            %swap3A = arith.index_cast %mul3A_97 : i32 to index
            %swap3A_164 = tpu.vector_load %arg19[%swap3A] {strides = array<i32>} : memref<800xf32, #tpu.memory_space<vmem>>, vector<16xf32>,
            tpu.vector_store %arg19[%swap3A], %mul3A_163 {strides = array<i32>} : memref<800xf32, #tpu.memory_space<vmem>>, vector<16xf32>,
            %mul3A_165 = arith.mulf %sub3A_125, %mul3A_162 : vector<16xf32>
            %swap3A_166 = arith.index_cast %mul3A_97 : i32 to index
            %swap3A_167 = tpu.vector_load %arg20[%swap3A_166] {strides = array<i32>} : memref<800xf32, #tpu.memory_space<vmem>>, vector<16xf32>,
            tpu.vector_store %arg20[%swap3A_166], %mul3A_165 {strides = array<i32>} : memref<800xf32, #tpu.memory_space<vmem>>, vector<16xf32>,
            %mul3A_168 = arith.mulf %sub3A_128, %mul3A_162 : vector<16xf32>
            %swap3A_169 = arith.index_cast %mul3A_97 : i32 to index
            %swap3A_170 = tpu.vector_load %arg21[%swap3A_169] {strides = array<i32>} : memref<800xf32, #tpu.memory_space<vmem>>, vector<16xf32>,
            tpu.vector_store %arg21[%swap3A_169], %mul3A_168 {strides = array<i32>} : memref<800xf32, #tpu.memory_space<vmem>>, vector<16xf32>,
            %scan3A_171 = arith.constant 0 : i32
            scf.yield %scan3A_171 : i32
          }
          %scan3A_89 = arith.constant 50 : i32
          "tpu.region"() ({
            %run_scoped3A = tpu.sem_alloc : memref<!tpu.dma_semaphore, #tpu.memory_space<semaphore_mem>>
            %dma_start3A_94 = tpu.memref_slice %arg6[%add3A_44] : memref<4800000xf32, #tpu.memory_space<hbm>> -> memref<800xf32, #tpu.memory_space<hbm>>
            %dma_start3A_95 = tpu.memref_slice %arg6[%add3A_44] : memref<4800000xf32, #tpu.memory_space<hbm>> -> memref<800xf32, #tpu.memory_space<hbm>>
            tpu.enqueue_dma source(%arg19 : memref<800xf32, #tpu.memory_space<vmem>>) target(%dma_start3A_95 : memref<800xf32, #tpu.memory_space<hbm>>) target_semaphore(%run_scoped3A : memref<!tpu.dma_semaphore, #tpu.memory_space<semaphore_mem>>)
            %dma_wait3A_96 = tpu.memref_slice %arg6[%add3A_44] : memref<4800000xf32, #tpu.memory_space<hbm>> -> memref<800xf32, #tpu.memory_space<hbm>>
            %dma_wait3A_97 = tpu.memref_slice %arg6[%add3A_44] : memref<4800000xf32, #tpu.memory_space<hbm>> -> memref<800xf32, #tpu.memory_space<hbm>>
            tpu.wait_dma2 semaphore(%run_scoped3A : memref<!tpu.dma_semaphore, #tpu.memory_space<semaphore_mem>>) src(%arg19 : memref<800xf32, #tpu.memory_space<vmem>>) dst(%dma_wait3A_97 : memref<800xf32, #tpu.memory_space<hbm>>)
            tpu.yield
          }) : () -> ()
          %add3A_90 = arith.constant 1600000 : i32
          %add3A_91 = arith.addi %add3A_90, %add3A_44 : i32
          "tpu.region"() ({
            %run_scoped3A = tpu.sem_alloc : memref<!tpu.dma_semaphore, #tpu.memory_space<semaphore_mem>>
            %dma_start3A_94 = tpu.memref_slice %arg6[%add3A_91] : memref<4800000xf32, #tpu.memory_space<hbm>> -> memref<800xf32, #tpu.memory_space<hbm>>
            %dma_start3A_95 = tpu.memref_slice %arg6[%add3A_91] : memref<4800000xf32, #tpu.memory_space<hbm>> -> memref<800xf32, #tpu.memory_space<hbm>>
            tpu.enqueue_dma source(%arg20 : memref<800xf32, #tpu.memory_space<vmem>>) target(%dma_start3A_95 : memref<800xf32, #tpu.memory_space<hbm>>) target_semaphore(%run_scoped3A : memref<!tpu.dma_semaphore, #tpu.memory_space<semaphore_mem>>)
            %dma_wait3A_96 = tpu.memref_slice %arg6[%add3A_91] : memref<4800000xf32, #tpu.memory_space<hbm>> -> memref<800xf32, #tpu.memory_space<hbm>>
            %dma_wait3A_97 = tpu.memref_slice %arg6[%add3A_91] : memref<4800000xf32, #tpu.memory_space<hbm>> -> memref<800xf32, #tpu.memory_space<hbm>>
            tpu.wait_dma2 semaphore(%run_scoped3A : memref<!tpu.dma_semaphore, #tpu.memory_space<semaphore_mem>>) src(%arg20 : memref<800xf32, #tpu.memory_space<vmem>>) dst(%dma_wait3A_97 : memref<800xf32, #tpu.memory_space<hbm>>)
            tpu.yield
          }) : () -> ()
          %add3A_92 = arith.constant 3200000 : i32
          %add3A_93 = arith.addi %add3A_92, %add3A_44 : i32
          "tpu.region"() ({
            %run_scoped3A = tpu.sem_alloc : memref<!tpu.dma_semaphore, #tpu.memory_space<semaphore_mem>>
            %dma_start3A_94 = tpu.memref_slice %arg6[%add3A_93] : memref<4800000xf32, #tpu.memory_space<hbm>> -> memref<800xf32, #tpu.memory_space<hbm>>
            %dma_start3A_95 = tpu.memref_slice %arg6[%add3A_93] : memref<4800000xf32, #tpu.memory_space<hbm>> -> memref<800xf32, #tpu.memory_space<hbm>>
            tpu.enqueue_dma source(%arg21 : memref<800xf32, #tpu.memory_space<vmem>>) target(%dma_start3A_95 : memref<800xf32, #tpu.memory_space<hbm>>) target_semaphore(%run_scoped3A : memref<!tpu.dma_semaphore, #tpu.memory_space<semaphore_mem>>)
            %dma_wait3A_96 = tpu.memref_slice %arg6[%add3A_93] : memref<4800000xf32, #tpu.memory_space<hbm>> -> memref<800xf32, #tpu.memory_space<hbm>>
            %dma_wait3A_97 = tpu.memref_slice %arg6[%add3A_93] : memref<4800000xf32, #tpu.memory_space<hbm>> -> memref<800xf32, #tpu.memory_space<hbm>>
            tpu.wait_dma2 semaphore(%run_scoped3A : memref<!tpu.dma_semaphore, #tpu.memory_space<semaphore_mem>>) src(%arg21 : memref<800xf32, #tpu.memory_space<vmem>>) dst(%dma_wait3A_97 : memref<800xf32, #tpu.memory_space<hbm>>)
            tpu.yield
          }) : () -> ()
        } else {
        }
        %scan3A_39 = arith.constant 0 : i32
        scf.yield %scan3A_39 : i32
      }
      %scan3A_28 = arith.constant 8 : i32
      %scan3A_29 = arith.constant 0 : i32
      scf.yield %scan3A_29 : i32
    }
    %scan3A_5 = arith.constant 8 : i32
    return
  }
}

</mosaic_0001>

<sc_bundles>
// kernel: kernel.3.cloned.1.call-start
scs
__scs_entry_jumppad:
0x0: {  	(pc) =	sbr.rel $0x88, $3  }
0x1: {  	(tag) =	ssettag $0x0;
	lr =	simm.s32 $0x1  }
0x2: {  	[smem:$0x3F9F] =	sst lr;
	_ =	strace $0xD0000000  }
0x3: {  	_ = 	snop  }
0x4: {  	_ = 	snop  }
0x5: {  	_ = 	snop  }
0x6: {  	_ = 	snop  }
0x7: {  	_ = 	snop  }
__scs_overlays_trampoline_lowered:
0x8: {  	[smem:$0x3FAE] =	sst s0  }
0x9: {  	[smem:$0x3FAF] =	sst s1  }
0xa: {  	[smem:$0x3FB0] =	sst s2  }
0xb: {  	[smem:$0x3FB1] =	sst s3  }
0xc: {  	[smem:$0x3FB2] =	sst s4  }
0xd: {  	[smem:$0x3FB3] =	sst s5  }
0xe: {  	[smem:$0x3FB4] =	sst s6  }
0xf: {  	[smem:$0x3FB5] =	sst s7  }
0x10: {  	[smem:$0x3FB6] =	sst s8  }
0x11: {  	[smem:$0x3FB7] =	sst s9;
	s0 =	simm.s32 @!p0 $0x0  }
0x12: {  	s1 =	sld [smem:$0x3F9D];
	s0 =	simm.s32 @p0 $0x1  }
0x13: {  	[smem:$0x3FB8] =	sst s0;
	s0 =	simm.s32 @!p1 $0x0  }
0x14: {  	s2 =	sld [smem:$0x3F9C];
	s0 =	simm.s32 @p1 $0x1  }
0x15: {  	[smem:$0x3FB9] =	sst s0;
	s0 =	simm.s32 @!p2 $0x0  }
0x16: {  	s3 =	sld [smem:$0x3FDB];
	s0 =	simm.s32 @p2 $0x1  }
0x17: {  	s4 =	simm.s32 $0x1BF5;
	[smem:$0x3FBB] =	sst s0  }
0x18: {  	s0 =	sld [smem:$0x3F9E];
	_ =	swait.ge [sflag:s4], $0x0  }
0x19: {  	s7 =	sld [smem:$0x3F9F]  }
0x1a: {  	s8 =	sadd.s32 $0xFFFFE003, lr  }
0x1b: {  	s9 =	sadd.s32 $0xFFFFFEF7, lr;
	s5 =	simm.s32 $0xFFFFFFFF;
	p2 =	slt.u32 s8, $0xFFFFF086  }
0x1c: {  	p1 =	slt.u32 s9, $0xF7A;
	s5 =	simm.s32 @!p2 $0x0  }
0x1d: {  	s5 =	simm.s32 @p1 $0x1;
	p0 =	seq.s32 s7, s2  }
0x1e: {  	s7 =	smul.u32 @!p0 $0xF7A, s2;
	p2 =	seq.s32 @!p0 s5, $0x0  }
0x1f: {  	s9 =	smul.u32 $0xF7A, s1;
	s8 =	simm.s32 @!p0 $0x1BF5;
	p2 =	por !p2, p0  }
0x20: {  	[sflag:s8] =	ssyncset.s32 @!p0 $0xFFFFF086;
	s6 =	sadd.s32 @!p0 s3, s7;
	s7 =	simm.s32 @!p0 $0x108  }
0x21: {  	s3 =	sadd.s32 s3, s9;
	s6 =	sadd.s32 @!p0 $0x88, s6;
	s7 =	simm.s32 @p2 $0x1082  }
0x22: {  	[simem:s7], [sflag:s8] =	dma.local @!p0 [hbm:s6], $0xF7A  }
0x23: {  	s9 =	sor.u32 $0xD0000000, s2;
	s6 =	simm.s32 $0x108;
	_ =	swait.ge @!p0 [sflag:s8], $0x0  }
0x24: {  	s3 =	sadd.s32 $0x88, s3;
	s6 =	simm.s32 @!p1 $0x1082;
	[sflag:s4] =	ssyncset.s32 $0xFFFFF086  }
0x25: {  	[simem:s6], [sflag:s4] =	dma.local [hbm:s3], $0xF7A  }
0x26: {  	[smem:$0x3F9F] =	sst s1;
	(tag) =	ssettag s2;
	_ =	strace s9  }
0x27: {  	s1 =	sld [smem:$0x3FAF]  }
0x28: {  	s2 =	sld [smem:$0x3FB0]  }
0x29: {  	s4 =	sld [smem:$0x3FB2]  }
0x2a: {  	p0 =	seq.s32 s5, $0x0;
	s5 =	sld [smem:$0x3FB3]  }
0x2b: {  	s6 =	sld [smem:$0x3FB4]  }
0x2c: {  	s7 =	sld [smem:$0x3FB5]  }
0x2d: {  	s3 =	simm.s32 $0x108;
	s8 =	sld [smem:$0x3FB6]  }
0x2e: {  	s3 =	simm.s32 @!p0 $0x1082;
	s9 =	sld [smem:$0x3FB7]  }
0x2f: {  	lr =	sadd.s32 s0, s3;
	s0 =	sld [smem:$0x3FAE]  }
0x30: {  	s3 =	sld [smem:$0x3FB1]  }
0x31: {  	[smem:$0x3FBA] =	sst s10  }
0x32: {  	s10 =	sld [smem:$0x3FB8];
	_ =	sdelay $0x3  }
0x33: {  	p0 =	seq.s32 s10, $0x1;
	s10 =	sld [smem:$0x3FBA];
	_ =	sdelay $0x3  }
0x34: {  	[smem:$0x3FBA] =	sst s10  }
0x35: {  	s10 =	sld [smem:$0x3FB9];
	_ =	sdelay $0x3  }
0x36: {  	p1 =	seq.s32 s10, $0x1;
	s10 =	sld [smem:$0x3FBA];
	_ =	sdelay $0x3  }
0x37: {  	[smem:$0x3FBA] =	sst s10  }
0x38: {  	s10 =	sld [smem:$0x3FBB]  }
0x39: {  	_ = 	snop;
	(pc) =	sbr.ind lr, $3  }
0x3a: {  	_ = 	snop  }
0x3b: {  	_ = 	snop  }
0x3c: {  	p2 =	seq.s32 s10, $0x1;
	s10 =	sld [smem:$0x3FBA]  }
0x3d: {  	_ =	shalt  }
0x3e: {  	_ =	shalt  }
0x3f: {  	_ =	shalt  }
0x40: {  	_ =	shalt  }
0x41: {  	_ =	shalt  }
0x42: {  	_ =	shalt  }
0x43: {  	_ =	shalt  }
0x44: {  	_ =	shalt  }
0x45: {  	_ =	shalt  }
0x46: {  	_ =	shalt  }
0x47: {  	_ =	shalt  }
0x48: {  	_ =	shalt  }
0x49: {  	_ =	shalt  }
0x4a: {  	_ =	shalt  }
0x4b: {  	_ =	shalt  }
0x4c: {  	_ =	shalt  }
0x4d: {  	_ =	shalt  }
0x4e: {  	_ =	shalt  }
0x4f: {  	_ =	shalt  }
0x50: {  	_ =	shalt  }
0x51: {  	_ =	shalt  }
0x52: {  	_ =	shalt  }
0x53: {  	_ =	shalt  }
0x54: {  	_ =	shalt  }
0x55: {  	_ =	shalt  }
0x56: {  	_ =	shalt  }
0x57: {  	_ =	shalt  }
0x58: {  	_ =	shalt  }
0x59: {  	_ =	shalt  }
0x5a: {  	_ =	shalt  }
0x5b: {  	_ =	shalt  }
0x5c: {  	_ =	shalt  }
0x5d: {  	_ =	shalt  }
0x5e: {  	_ =	shalt  }
0x5f: {  	_ =	shalt  }
0x60: {  	_ =	shalt  }
0x61: {  	_ =	shalt  }
0x62: {  	_ =	shalt  }
0x63: {  	_ =	shalt  }
0x64: {  	_ =	shalt  }
0x65: {  	_ =	shalt  }
0x66: {  	_ =	shalt  }
0x67: {  	_ =	shalt  }
0x68: {  	_ =	shalt  }
0x69: {  	_ =	shalt  }
0x6a: {  	_ =	shalt  }
0x6b: {  	_ =	shalt  }
0x6c: {  	_ =	shalt  }
0x6d: {  	_ =	shalt  }
0x6e: {  	_ =	shalt  }
0x6f: {  	_ =	shalt  }
0x70: {  	_ =	shalt  }
0x71: {  	_ =	shalt  }
0x72: {  	_ =	shalt  }
0x73: {  	_ =	shalt  }
0x74: {  	_ =	shalt  }
0x75: {  	_ =	shalt  }
0x76: {  	_ =	shalt  }
0x77: {  	_ =	shalt  }
0x78: {  	_ =	shalt  }
0x79: {  	_ =	shalt  }
0x7a: {  	_ =	shalt  }
0x7b: {  	_ =	shalt  }
0x7c: {  	_ =	shalt  }
0x7d: {  	_ =	shalt  }
0x7e: {  	_ =	shalt  }
0x7f: {  	_ =	shalt  }
0x80: {  	_ =	shalt  }
0x81: {  	_ =	shalt  }
0x82: {  	_ =	shalt  }
0x83: {  	_ =	shalt  }
0x84: {  	_ =	shalt  }
0x85: {  	_ =	shalt  }
0x86: {  	_ =	shalt  }
0x87: {  	_ =	shalt  }
.Lfunc_end0:
.L_simem_size_0:
called_computation_lowered:
.L_overlay_start_0:
0x88: {  	s2 =	sld [smem:$0x3FD9]  }
0x89: {  	s3 =	sld [smem:$0x3FFE];
	_ =	sdelay $0x1  }
0x8a: {  	s1 =	srdreg.scid  }
0x8b: {  	s0 =	sand.u32 $0x1, s1  }
0x8c: {  	s17 =	sshll.u32 s0, $0xA;
	s2 =	sadd.s32 s3, s2  }
0x8d: {  	s2 =	sadd.s32 s2, s17  }
0x8e: {  	[smem:$0x3FC6] =	sst s2  }
0x8f: {  	_ = 	snop  }
0x90: {  	s2 =	sld [smem:$0x3FD0];
	(tm) =	ssettm $0x1  }
0x91: {  	s18 =	sld [smem:$0x3FFB];
	_ =	sdelay $0x3  }
0x92: {  	_ =	strace s18  }
0x93: {  	s3 =	sld [smem:$0x3FFC];
	_ =	sdelay $0x3  }
0x94: {  	_ =	strace s3  }
0x95: {  	s3 =	sld [smem:$0x3FFD];
	_ =	sdelay $0x3  }
0x96: {  	_ =	strace s3  }
0x97: {  	_ =	strace $0x8FFFFFFF  }
0x98: {  	s19 =	sld [smem:$0x3FDB];
	_ =	sdelay $0x1  }
0x99: {  	s4 =	simm.s32 $_scs_section_size  }
0x9a: {  	s5 =	simm.s32 $_size__tile_overlayer_lowered;
	s6 =	simm.s32 $_tile_overlayer_lowered  }
0x9b: {  	s22 =	simm.s32 $0x1BFF;
	s21 =	sshll.u32 s6, $0x1;
	s3 =	sadd.s32 s4, s19  }
0x9c: {  	s7 =	simm.s32 $0x0;
	s20 =	sshll.u32 s5, $0x1;
	s5 =	sadd.s32 s21, s3  }
0x9d: {  	[timem:s7], [sflag:s22] =	dma.local [hbm:s5], s20  }
0x9e: {  	_ =	swait.ge [sflag:s22], s20  }
0x9f: {  	s4 =	ssub.s32 $0x0, s20;
	[sflag:s22] =	ssyncset.done $0x0  }
0xa0: {  	[sflag:s22] =	ssyncadd.s32 s4;
	_ =	sdelay $0x1  }
0xa1: {  	s23 =	simm.s32 $0x1B8B  }
0xa2: {  	_ =	swait.ge [sflag:s23], $0x1  }
0xa3: {  	[sflag:s23] =	ssyncset.done $0x0  }
0xa4: {  	s25 =	simm.s32 $0x1B8E;
	s24 =	sld [smem:$0x3FFE];
	[sflag:s23] =	ssyncadd.s32 $0xFFFFFFFF  }
0xa5: {  	s26 =	simm.s32 $execute0_lowered;
	[smem:$0x3FD2] =	sst s25  }
0xa6: {  	s5 =	sshll.u32 s26, $0x1;
	_ =	strace $0x80000046;
	[dreg:$0x1] =	wrdreg $0xFFFFFFFF  }
0xa7: {  	s28 =	simm.s32 $_size_execute0_lowered;
	s3 =	sadd.s32 s3, s5;
	[dreg:$0x0] =	wrdreg $0x0  }
0xa8: {  	s5 =	sshll.u32 s28, $0x1;
	[dreg:$0x2] =	wrdreg s3  }
0xa9: {  	[dreg:$0x3] =	wrdreg s5  }
0xaa: {  	[dreg:$0x4] =	wrdreg $0xC0  }
0xab: {  	_ =	task [dreg:s7], $0x5FFFF  }
0xac: {  	[dreg:$0x1] =	wrdreg $0xFFFFFFFF  }
0xad: {  	[dreg:$0x0] =	wrdreg $0x60  }
0xae: {  	[dreg:$0x2] =	wrdreg s24  }
0xaf: {  	[dreg:$0x3] =	wrdreg s2  }
0xb0: {  	[dreg:$0x4] =	wrdreg $0xF8000  }
0xb1: {  	[dreg:$0x5] =	wrdreg $0x104380  }
0xb2: {  	[dreg:$0x6] =	wrdreg $0x110700  }
0xb3: {  	[dreg:$0x7] =	wrdreg $0x9  }
0xb4: {  	_ =	task.clear_ibuf [dreg:s7], $0x8FFFF;
	_ =	strace $0x90000046  }
0xb5: {  	s29 =	simm.s32 $0x9;
	_ =	strace $0x80000048  }
0xb6: {  	_ =	swait.ge [sflag:s29], $0x1  }
0xb7: {  	[sflag:s29] =	ssyncadd.s32 $0xFFFFFFFF  }
0xb8: {  	_ =	strace $0x90000048  }
0xb9: {  	_ =	sfence  }
0xba: {  	s30 =	sld [smem:$0x0];
	_ =	sdelay $0x2  }
0xbb: {  	s31 =	sshll.u32 s1, $0xD;
	s1 =	sshrl.u32 s1, $0x2  }
0xbc: {  	s3 =	sand.u32 $0x4000, s31;
	s1 =	sadd.s32 s1, s30  }
0xbd: {  	s0 =	sor.u32 s3, s0;
	s1 =	sshll.u32 s1, $0x11  }
0xbe: {  	s0 =	sor.u32 s1, s0  }
0xbf: {  	s0 =	sadd.s32 $0x8F2B, s0  }
0xc0: {  	[sflag:s0] =	ssyncadd.remote.s32 $0x1  }
0xc1: {  	_ =	sfence.sel $0xFFFF  }
0xc2: {  	[dreg:$0x0] =	wrdreg $0xFFFFFFFF;
	(pc) =	sbr.abs _section_cstart, $3  }
0xc3: {  	[dreg:$0x1] =	wrdreg $0xFFFFFFFF  }
0xc4: {  	_ =	task.clear_ibuf [dreg:s7], $0x2FFFF;
	_ =	strace $0x9FFFFFFF  }
0xc5: {  	(tm) =	ssettm $0x7FFFFFFF  }
tec
execute0_lowered:
.L_overlay_start_1:
0x0: {  	(tag) =	ssettag $0x1  }
0x1: {  	s0 =	rddreg [dreg:$0x0]  }
0x2: {  	s1 =	rddreg [dreg:$0x1]  }
0x3: {  	s2 =	rddreg [dreg:$0x2]  }
0x4: {  	s3 =	rddreg [dreg:$0x3]  }
0x5: {  	s4 =	rddreg [dreg:$0x4]  }
0x6: {  	s5 =	simm.s32 $0x0;
	s6 =	srdreg.scid;
	s14 =	simm.s32 $0x2  }
0x7: {  	s15 =	simm.s32 $0x3;
	s16 =	simm.s32 $0x380;
	s17 =	simm.s32 $0x700  }
0x8: {  	s18 =	simm.s32 $0x320;
	s28 =	simm.s32 $0x2680;
	s29 =	simm.s32 $0x1  }
0x9: {  	s30 =	simm.s32 $0x2A00;
	[smem:$0x7FF] =	sst s5;
	s7 =	sadd.s32 $0x32A00, s0  }
0xa: {  	s24 =	sadd.s32 $0x1A200, s0;
	_ =	strace $0x80000047;
	[dreg:$0x6] =	wrdreg s7  }
0xb: {  	s31 =	simm.s32 $0x2D80;
	s8 =	sadd.s32 $0x1A00, s0;
	[dreg:$0x7] =	wrdreg s24  }
0xc: {  	s6 =	sand.u32 $0x1, s6;
	s10 =	sadd.s32 $0x4B200, s0;
	[dreg:$0x8] =	wrdreg s8  }
.Ltmp0:
0xd: {  	s25 =	ssub.s32 $0x2, s6;
	s8 =	stileid.u32;
	(pc) =	sbr.rel .LBB2_1-.Ltmp0, $4  }
0xe: {  	s6 =	sshll.u32 s6, $0x3;
	s7 =	simm.s32 $0x0;
	s26 =	sshrl.u32 s25, $0x1  }
0xf: {  	[dreg:$0x9] =	wrdreg s6;
	p0 =	seq.s32 s8, $0x0;
	s0 =	ssub.s32 s25, s26  }
0x10: {  	p1 =	seq.s32 s8, $0x2;
	p2 =	sne.s32 s8, $0x1;
	s0 =	smax.u32 s0, $0x1  }
0x11: {  	s26 =	simm.s32 $0x2300;
	[dreg:$0xa] =	wrdreg s0;
	s0 =	simm.s32 $0x3100  }
.LBB2_14:
0x12: {  	s7 =	rddreg [dreg:$0xb]  }
0x13: {  	s6 =	rddreg [dreg:$0xa];
	s7 =	sadd.s32 $0x1, s7  }
0x14: {  	p3 =	sne.s32 s7, s6  }
.Ltmp1:
0x15: {  	_ = 	snop;
	(pc) =	sbr.rel @!p3 .LBB2_15-.Ltmp1, $1  }
0x16: {  	_ =	sdelay $0x3  }
.LBB2_1:
.Ltmp2:
0x17: {  	(pc) =	sbr.rel .LBB2_2-.Ltmp2, $2  }
0x18: {  	_ =	sdelay $0x2  }
0x19: {  	[dreg:$0xb] =	wrdreg s7;
	s12 =	simm.s32 $0x0  }
.LBB2_13:
0x1a: {  	s12 =	sadd.s32 $0x1, s12  }
0x1b: {  	p3 =	sne.s32 s12, $0x8  }
.Ltmp3:
0x1c: {  	_ = 	snop;
	(pc) =	sbr.rel @!p3 .LBB2_14-.Ltmp3, $1  }
0x1d: {  	_ =	sdelay $0x3  }
.LBB2_2:
.Ltmp4:
0x1e: {  	(pc) =	sbr.rel @p0 .LBB2_6-.Ltmp4, $3  }
0x1f: {  	_ =	sdelay $0x1  }
0x20: {  	s6 =	rddreg [dreg:$0x9];
	[bflag:$0x0] =	sbarrier.arrive $0xFFFF  }
0x21: {  	s7 =	smov.u32 s2;
	s6 =	sadd.s32 s6, s12;
	s9 =	rddreg [dreg:$0x6]  }
.Ltmp5:
0x22: {  	(pc) =	sbr.rel @p1 .LBB2_5-.Ltmp5, $1  }
0x23: {  	_ =	sdelay $0x3  }
.Ltmp6:
0x24: {  	(pc) =	sbr.rel @p2 .LBB2_7-.Ltmp6, $4  }
.Ltmp7:
0x25: {  	(pc) =	sbr.rel @!p2 .LBB2_6-.Ltmp7, $4  }
0x26: {  	_ = 	snop  }
0x27: {  	_ = 	snop  }
0x28: {  	s9 =	rddreg [dreg:$0x7];
	s7 =	smov.u32 s3  }
0x29: {  	_ = 	snop  }
.LBB2_5:
0x2a: {  	s9 =	rddreg [dreg:$0x8];
	s7 =	smov.u32 s4  }
.LBB2_6:
0x2b: {  	s11 =	smul.u32 $0x186A, s6;
	_ =	sdelay $0x1  }
0x2c: {  	s25 =	simm.s32 $0x3480;
	s9 =	sadd.s32 s9, s11  }
0x2d: {  	[tilespmem:s25], [sflag:$0x2] =	stream.linear.gather [hbm4b:s9+s5], $0xC350, $0x38;
	[tilespmem:$0x11CA8] =	vst v63  }
0x2e: {  	_ =	swait.ge [sflag:s14], $0xC350  }
0x2f: {  	[sflag:s14] =	ssyncset.done $0x0  }
0x30: {  	[sflag:s14] =	ssyncadd.s32 $0xFFFF3CB0  }
0x31: {  	[spmem:s7] =	stream.linear.scatter [tilespmem:s25], [sflag:$0x2], $0xC380, $0x38;
	[tilespmem:$0x11CA8] =	vst v63  }
0x32: {  	_ =	swait.ge [sflag:s14], $0xC380  }
0x33: {  	[sflag:s14] =	ssyncset.done $0x0  }
0x34: {  	[sflag:s14] =	ssyncadd.s32 $0xFFFF3C80  }
.LBB2_7:
.Ltmp8:
0x35: {  	(pc) =	sbr.rel .LBB2_8-.Ltmp8, $3  }
0x36: {  	_ =	sdelay $0x1  }
0x37: {  	[bflag:$0x0] =	sbarrier.arrive $0xFFFF  }
0x38: {  	s9 =	smul.u32 $0x186A0, s6;
	s7 =	simm.s32 $0x0  }
.LBB2_11:
0x39: {  	v15 =	vsub.f32 v15, v18  }
0x3a: {  	v17 =	vsub.f32 v22, v17;
	v28 =	vsub.f32 v23, v18  }
0x3b: {  	v16 =	vsub.f32 v21, v16  }
0x3c: {  	v29 =	vmul.f32 v17, v15;
	v30 =	vmul.f32 v28, v20  }
0x3d: {  	v18 =	vmul.f32 v28, v14;
	v15 =	vmul.f32 v16, v15  }
0x3e: {  	v16 =	vmul.f32 v16, v20  }
0x3f: {  	v32 =	vmul.f32 v17, v14;
	v31 =	vsub.f32 v29, v30;
	v15 =	vsub.f32 v18, v15;
	_ =	sdelay $0x1  }
0x40: {  	v14 =	vsub.f32 v16, v32;
	v33 =	vmul.f32 v31, v31;
	v34 =	vmul.f32 v15, v15  }
0x41: {  	v35 =	vadd.f32 v24, v25  }
0x42: {  	v36 =	vmul.f32 v14, v14;
	v16 =	vadd.f32 v34, v33  }
0x43: {  	v18 =	vmax.f32 v35, $1.000000020e-24  }
0x44: {  	v37 =	vshrl.u32 v18, $0x1;
	v18 =	vmul.f32 $5.000000000e-01, v18;
	v16 =	vadd.f32 v16, v36  }
0x45: {  	v38 =	vsub.s32 $0x5F3759DF, v37  }
0x46: {  	v21 =	vmul.f32 v38, v18;
	v16 =	vmax.f32 v16, $1.000000020e-24  }
0x47: {  	v39 =	vshrl.u32 v16, $0x1;
	v16 =	vmul.f32 $5.000000000e-01, v16  }
0x48: {  	v21 =	vmul.f32 v38, v21;
	v22 =	vsub.s32 $0x5F3759DF, v39  }
0x49: {  	v40 =	vmul.f32 v22, v16  }
0x4a: {  	v21 =	vsub.f32 $1.500000000e+00, v21  }
0x4b: {  	v41 =	vmul.f32 v13, v9;
	v23 =	vmul.f32 v22, v40  }
0x4c: {  	v17 =	vmul.f32 v38, v21  }
0x4d: {  	v42 =	vmul.f32 v41, v13;
	v23 =	vsub.f32 $1.500000000e+00, v23  }
0x4e: {  	v43 =	vmul.f32 v17, v18  }
0x4f: {  	v21 =	vsub.f32 $1.500000000e+00, v42;
	v22 =	vmul.f32 v22, v23  }
0x50: {  	v44 =	vmul.f32 v43, v17  }
0x51: {  	v45 =	vmul.f32 v21, v13;
	v46 =	vmul.f32 v22, v16  }
0x52: {  	v23 =	vsub.f32 $1.500000000e+00, v44  }
0x53: {  	v47 =	vmul.f32 v45, v9;
	v21 =	vmul.f32 v46, v22  }
0x54: {  	v17 =	vmul.f32 v23, v17  }
0x55: {  	v12 =	vmul.f32 v19, v12;
	v9 =	vmul.f32 v47, v45;
	v48 =	vsub.f32 $1.500000000e+00, v21  }
0x56: {  	v0 =	vmul.f32 v7, v0;
	v49 =	vmul.f32 v17, v18  }
0x57: {  	v3 =	vmul.f32 v12, v3;
	v9 =	vsub.f32 $1.500000000e+00, v9;
	v50 =	vmul.f32 v48, v22  }
0x58: {  	v1 =	vmul.f32 v12, v1;
	v7 =	vmul.f32 v49, v17  }
0x59: {  	[tilespmem:s19+$0x2D80] =	vst v0;
	v51 =	vmul.f32 v9, v45;
	v52 =	vmul.f32 v50, v16  }
0x5a: {  	v2 =	vmul.f32 v12, v2;
	[tilespmem:s20+$0x3100] =	vst v3;
	v53 =	vsub.f32 $1.500000000e+00, v7  }
0x5b: {  	[tilespmem:s20+$0x2A00] =	vst v1;
	v54 =	vmul.f32 v51, v6;
	v55 =	vmul.f32 v52, v50  }
0x5c: {  	[tilespmem:s20+$0x2D80] =	vst v2;
	v56 =	vmul.f32 v51, v4;
	v3 =	vmul.f32 v53, v17  }
0x5d: {  	v0 =	vmul.f32 v51, v5;
	[tilespmem:s21+$0x3100] =	vst v54;
	v57 =	vsub.f32 $1.500000000e+00, v55  }
0x5e: {  	[tilespmem:s21+$0x2A00] =	vst v56;
	v58 =	vmul.f32 v3, v11  }
0x5f: {  	[tilespmem:s21+$0x2D80] =	vst v0;
	v59 =	vmul.f32 v3, v8;
	v1 =	vmul.f32 v57, v50  }
0x60: {  	v60 =	vmul.f32 v3, v10;
	[tilespmem:s22+$0x3100] =	vst v58  }
0x61: {  	[tilespmem:s22+$0x2A00] =	vst v59;
	v61 =	vmul.f32 v1, v14  }
0x62: {  	[tilespmem:s22+$0x2D80] =	vst v60;
	v62 =	vmul.f32 v1, v31  }
0x63: {  	v63 =	vmul.f32 v1, v15;
	[tilespmem:s23+$0x3100] =	vst v61  }
0x64: {  	[tilespmem:s23+$0x2A00] =	vst v62  }
0x65: {  	s13 =	sadd.s32 s10, s13;
	[tilespmem:s23+$0x2D80] =	vst v63  }
0x66: {  	[hbm4b:s13+s5] =	stream.linear.scatter [tilespmem:s30], [sflag:$0x3], $0x320, $0x38;
	[tilespmem:$0x11CA8] =	vst v63  }
0x67: {  	_ =	swait.ge [sflag:s15], $0x320  }
0x68: {  	[sflag:s15] =	ssyncset.done $0x0  }
0x69: {  	s6 =	sadd.s32 s10, s6;
	[sflag:s15] =	ssyncadd.s32 $0xFFFFFCE0  }
0x6a: {  	[hbm4b:s6+s5] =	stream.linear.scatter [tilespmem:s31], [sflag:$0x3], $0x320, $0x38;
	[tilespmem:$0x11CA8] =	vst v63  }
0x6b: {  	_ =	swait.ge [sflag:s15], $0x320  }
0x6c: {  	[sflag:s15] =	ssyncset.done $0x0  }
0x6d: {  	s25 =	sadd.s32 s10, s11;
	[sflag:s15] =	ssyncadd.s32 $0xFFFFFCE0  }
0x6e: {  	[hbm4b:s25+s5] =	stream.linear.scatter [tilespmem:s0], [sflag:$0x2], $0x320, $0x38;
	[tilespmem:$0x11CA8] =	vst v63  }
0x6f: {  	_ =	swait.ge [sflag:s14], $0x320  }
0x70: {  	[sflag:s14] =	ssyncset.done $0x0  }
0x71: {  	[sflag:s14] =	ssyncadd.s32 $0xFFFFFCE0  }
.LBB2_12:
0x72: {  	s7 =	sadd.s32 $0x1, s7  }
0x73: {  	p3 =	sne.s32 s7, $0x8  }
.Ltmp9:
0x74: {  	_ = 	snop;
	(pc) =	sbr.rel @!p3 .LBB2_13-.Ltmp9, $1  }
0x75: {  	_ =	sdelay $0x3  }
.LBB2_8:
0x76: {  	s6 =	sshll.u32 s7, $0x4  }
0x77: {  	s6 =	sor.u32 s8, s6  }
0x78: {  	p3 =	sgt.u32 s6, $0x7C  }
.Ltmp10:
0x79: {  	_ = 	snop;
	(pc) =	sbr.rel @p3 .LBB2_12-.Ltmp10, $1  }
0x7a: {  	_ =	sdelay $0x3  }
0x7b: {  	s6 =	smul.u32 $0x320, s6;
	_ =	sdelay $0x1  }
0x7c: {  	s6 =	sadd.s32 s9, s6  }
0x7d: {  	s13 =	sshrl.u32 s6, $0x3  }
0x7e: {  	s19 =	simm.s32 $0x0;
	s6 =	sadd.s32 s1, s13  }
0x7f: {  	[tilespmem:s19], [sflag:$0x3] =	stream.linear.gather [hbm4b:s6+s19], $0x320, $0x38;
	[tilespmem:$0x11CA8] =	vst v63  }
0x80: {  	_ =	swait.ge [sflag:s15], $0x320  }
0x81: {  	s6 =	sadd.s32 $0x30D40, s13;
	[sflag:s15] =	ssyncset.done $0x0  }
0x82: {  	s11 =	sadd.s32 s1, s6;
	[sflag:s15] =	ssyncadd.s32 $0xFFFFFCE0  }
0x83: {  	[tilespmem:s16], [sflag:$0x3] =	stream.linear.gather [hbm4b:s11+s19], $0x320, $0x38;
	[tilespmem:$0x11CA8] =	vst v63  }
0x84: {  	_ =	swait.ge [sflag:s15], $0x320  }
0x85: {  	s11 =	sadd.s32 $0x61A80, s13;
	[sflag:s15] =	ssyncset.done $0x0  }
0x86: {  	s20 =	sadd.s32 s1, s11;
	[sflag:s15] =	ssyncadd.s32 $0xFFFFFCE0  }
0x87: {  	[tilespmem:s17], [sflag:$0x3] =	stream.linear.gather [hbm4b:s20+s19], $0x320, $0x38;
	[tilespmem:$0x11CA8] =	vst v63  }
0x88: {  	_ =	swait.ge [sflag:s15], $0x320  }
0x89: {  	[sflag:s15] =	ssyncset.done $0x0  }
0x8a: {  	s24 =	simm.s32 $0xA80;
	[sflag:s15] =	ssyncadd.s32 $0xFFFFFCE0  }
0x8b: {  	[tilespmem:s24], [sflag:$0x1] =	stream.indirect.gather [spmem:s2], $0x1, s19, s18, $0xb8;
	[tilespmem:$0x11CA8] =	vst v63  }
0x8c: {  	s25 =	simm.s32 $0xE00  }
0x8d: {  	[tilespmem:s25], [sflag:$0x1] =	stream.indirect.gather [spmem:s3], $0x1, s19, s18, $0xb8;
	[tilespmem:$0x11CA8] =	vst v63  }
0x8e: {  	s21 =	simm.s32 $0x1180  }
0x8f: {  	[tilespmem:s21], [sflag:$0x1] =	stream.indirect.gather [spmem:s4], $0x1, s19, s18, $0xb8;
	[tilespmem:$0x11CA8] =	vst v63  }
0x90: {  	s22 =	simm.s32 $0x1500  }
0x91: {  	[tilespmem:s22], [sflag:$0x1] =	stream.indirect.gather [spmem:s2], $0x1, s16, s18, $0xb8;
	[tilespmem:$0x11CA8] =	vst v63  }
0x92: {  	s23 =	simm.s32 $0x1880  }
0x93: {  	[tilespmem:s23], [sflag:$0x1] =	stream.indirect.gather [spmem:s3], $0x1, s16, s18, $0xb8;
	[tilespmem:$0x11CA8] =	vst v63  }
0x94: {  	s24 =	simm.s32 $0x1C00  }
0x95: {  	[tilespmem:s24], [sflag:$0x1] =	stream.indirect.gather [spmem:s4], $0x1, s16, s18, $0xb8;
	[tilespmem:$0x11CA8] =	vst v63  }
0x96: {  	s25 =	simm.s32 $0x1F80  }
0x97: {  	[tilespmem:s25], [sflag:$0x1] =	stream.indirect.gather [spmem:s2], $0x1, s17, s18, $0xb8;
	[tilespmem:$0x11CA8] =	vst v63  }
0x98: {  	_ = 	snop  }
0x99: {  	[tilespmem:s26], [sflag:$0x1] =	stream.indirect.gather [spmem:s3], $0x1, s17, s18, $0xb8;
	[tilespmem:$0x11CA8] =	vst v63  }
0x9a: {  	_ = 	snop  }
0x9b: {  	[tilespmem:s28], [sflag:$0x1] =	stream.indirect.gather [spmem:s4], $0x1, s17, s18, $0xb8;
	[tilespmem:$0x11CA8] =	vst v63  }
0x9c: {  	_ =	swait.ge [sflag:s29], $0x320  }
0x9d: {  	[sflag:s29] =	ssyncset.done $0x0  }
0x9e: {  	[sflag:s29] =	ssyncadd.s32 $0xFFFFFCE0  }
0x9f: {  	_ =	swait.ge [sflag:s29], $0x320  }
0xa0: {  	[sflag:s29] =	ssyncset.done $0x0  }
0xa1: {  	[sflag:s29] =	ssyncadd.s32 $0xFFFFFCE0  }
0xa2: {  	_ =	swait.ge [sflag:s29], $0x320  }
0xa3: {  	[sflag:s29] =	ssyncset.done $0x0  }
0xa4: {  	[sflag:s29] =	ssyncadd.s32 $0xFFFFFCE0  }
0xa5: {  	_ =	swait.ge [sflag:s29], $0x320  }
0xa6: {  	[sflag:s29] =	ssyncset.done $0x0  }
0xa7: {  	[sflag:s29] =	ssyncadd.s32 $0xFFFFFCE0  }
0xa8: {  	_ =	swait.ge [sflag:s29], $0x320  }
0xa9: {  	[sflag:s29] =	ssyncset.done $0x0  }
0xaa: {  	[sflag:s29] =	ssyncadd.s32 $0xFFFFFCE0  }
0xab: {  	_ =	swait.ge [sflag:s29], $0x320  }
0xac: {  	[sflag:s29] =	ssyncset.done $0x0  }
0xad: {  	[sflag:s29] =	ssyncadd.s32 $0xFFFFFCE0  }
0xae: {  	_ =	swait.ge [sflag:s29], $0x320  }
0xaf: {  	[sflag:s29] =	ssyncset.done $0x0  }
0xb0: {  	[sflag:s29] =	ssyncadd.s32 $0xFFFFFCE0  }
0xb1: {  	_ =	swait.ge [sflag:s29], $0x320  }
0xb2: {  	[sflag:s29] =	ssyncset.done $0x0  }
0xb3: {  	[sflag:s29] =	ssyncadd.s32 $0xFFFFFCE0  }
0xb4: {  	_ =	swait.ge [sflag:s29], $0x320  }
0xb5: {  	[sflag:s29] =	ssyncset.done $0x0  }
0xb6: {  	s19 =	simm.s32 $0x0;
	[sflag:s29] =	ssyncadd.s32 $0xFFFFFCE0  }
0xb7: {  	v0 =	vld [tilespmem:s19+$0xA80]  }
0xb8: {  	v1 =	vld [tilespmem:s19+$0xE00]  }
0xb9: {  	v2 =	vld [tilespmem:s19+$0x1180]  }
0xba: {  	v3 =	vld [tilespmem:s19+$0x1500]  }
0xbb: {  	v4 =	vld [tilespmem:s19+$0x1880]  }
0xbc: {  	v5 =	vld [tilespmem:s19+$0x1C00]  }
0xbd: {  	v6 =	vld [tilespmem:s19+$0x2300]  }
0xbe: {  	v7 =	vld [tilespmem:s19+$0x2680]  }
0xbf: {  	v8 =	vld [tilespmem:s19+$0x1F80];
	_ =	sdelay $0x2  }
0xc0: {  	v1 =	vsub.f32 v1, v4;
	v2 =	vsub.f32 v2, v5  }
0xc1: {  	v4 =	vsub.f32 v6, v4;
	v5 =	vsub.f32 v7, v5  }
0xc2: {  	s20 =	simm.s32 $0x10;
	v6 =	vsub.f32 v0, v3;
	v0 =	vsub.f32 v8, v3  }
0xc3: {  	v9 =	vld [tilespmem:s20+$0xE00];
	v7 =	vmul.f32 v4, v2;
	v8 =	vmul.f32 v5, v1  }
0xc4: {  	v10 =	vld [tilespmem:s20+$0x1180];
	v5 =	vmul.f32 v5, v6;
	v2 =	vmul.f32 v0, v2  }
0xc5: {  	v12 =	vld [tilespmem:s20+$0x1500];
	v1 =	vmul.f32 v0, v1  }
0xc6: {  	v3 =	vld [tilespmem:s20+$0xA80];
	v11 =	vsub.f32 v7, v8;
	v0 =	vsub.f32 v5, v2;
	v2 =	vmul.f32 v4, v6  }
0xc7: {  	v4 =	vld [tilespmem:s20+$0x1880]  }
0xc8: {  	v5 =	vld [tilespmem:s20+$0x1C00];
	v8 =	vsub.f32 v1, v2;
	v1 =	vmul.f32 v11, v11;
	v2 =	vmul.f32 v0, v0  }
0xc9: {  	v7 =	vld [tilespmem:s20+$0x2680]  }
0xca: {  	v6 =	vld [tilespmem:s20+$0x2300];
	v1 =	vadd.f32 v2, v1;
	v2 =	vmul.f32 v8, v8  }
0xcb: {  	v13 =	vld [tilespmem:s20+$0x1F80]  }
0xcc: {  	v1 =	vadd.f32 v1, v2  }
0xcd: {  	v3 =	vsub.f32 v3, v12;
	v2 =	vsub.f32 v9, v4  }
0xce: {  	s21 =	simm.s32 $0x20;
	v9 =	vsub.f32 v10, v5;
	v5 =	vsub.f32 v7, v5;
	v1 =	vmax.f32 v1, $1.000000020e-24  }
0xcf: {  	v15 =	vld [tilespmem:s21+$0x1180];
	v4 =	vsub.f32 v6, v4;
	v7 =	vshrl.u32 v1, $0x1;
	v10 =	vmul.f32 $5.000000000e-01, v1  }
0xd0: {  	v17 =	vld [tilespmem:s21+$0x1500];
	v14 =	vmul.f32 v5, v2;
	v1 =	vsub.f32 v13, v12;
	v7 =	vsub.s32 $0x5F3759DF, v7  }
0xd1: {  	v19 =	vld [tilespmem:s21+$0x1880];
	v5 =	vmul.f32 v5, v3;
	v16 =	vmul.f32 v7, v10  }
0xd2: {  	v20 =	vld [tilespmem:s21+$0x1C00];
	v13 =	vmul.f32 v4, v9;
	v9 =	vmul.f32 v1, v9  }
0xd3: {  	v6 =	vld [tilespmem:s21+$0xA80];
	v3 =	vmul.f32 v4, v3;
	v16 =	vmul.f32 v7, v16  }
0xd4: {  	v12 =	vld [tilespmem:s21+$0xE00];
	v18 =	vmul.f32 v1, v2;
	v1 =	vsub.f32 v13, v14;
	v2 =	vsub.f32 v5, v9  }
0xd5: {  	v4 =	vld [tilespmem:s21+$0x1F80];
	v5 =	vsub.f32 $1.500000000e+00, v16  }
0xd6: {  	v9 =	vld [tilespmem:s21+$0x2300];
	v3 =	vsub.f32 v18, v3;
	v13 =	vmul.f32 v1, v1;
	v14 =	vmul.f32 v2, v2  }
0xd7: {  	v16 =	vld [tilespmem:s21+$0x2680];
	v5 =	vmul.f32 v7, v5  }
0xd8: {  	v7 =	vadd.f32 v14, v13;
	v13 =	vmul.f32 v3, v3  }
0xd9: {  	v6 =	vsub.f32 v6, v17;
	v12 =	vsub.f32 v12, v19;
	v14 =	vmul.f32 v5, v10  }
0xda: {  	v4 =	vsub.f32 v4, v17;
	v7 =	vadd.f32 v7, v13  }
0xdb: {  	v9 =	vsub.f32 v9, v19;
	v13 =	vsub.f32 v15, v20;
	v14 =	vmul.f32 v14, v5  }
0xdc: {  	s22 =	simm.s32 $0x30;
	v15 =	vsub.f32 v16, v20;
	v16 =	vmul.f32 v4, v12;
	v7 =	vmax.f32 v7, $1.000000020e-24  }
0xdd: {  	v21 =	vld [tilespmem:s22+$0x1180];
	v18 =	vshrl.u32 v7, $0x1;
	v19 =	vmul.f32 $5.000000000e-01, v7;
	v7 =	vsub.f32 $1.500000000e+00, v14  }
0xde: {  	v23 =	vld [tilespmem:s22+$0x1500];
	v20 =	vmul.f32 v9, v13;
	v13 =	vmul.f32 v4, v13;
	v18 =	vsub.s32 $0x5F3759DF, v18  }
0xdf: {  	v17 =	vld [tilespmem:s22+$0xA80];
	v22 =	vmul.f32 v18, v19;
	v7 =	vmul.f32 v7, v5  }
0xe0: {  	v12 =	vmul.f32 v15, v12;
	v14 =	vld [tilespmem:s22+$0xE00];
	v5 =	vmul.f32 v15, v6  }
0xe1: {  	v15 =	vld [tilespmem:s22+$0x1880];
	v22 =	vmul.f32 v18, v22;
	v10 =	vmul.f32 v7, v10  }
0xe2: {  	v24 =	vld [tilespmem:s22+$0x1C00];
	v4 =	vsub.f32 v20, v12;
	v6 =	vmul.f32 v9, v6;
	v5 =	vsub.f32 v5, v13  }
0xe3: {  	v9 =	vld [tilespmem:s22+$0x1F80];
	v12 =	vsub.f32 $1.500000000e+00, v22;
	v10 =	vmul.f32 v10, v7  }
0xe4: {  	v13 =	vld [tilespmem:s22+$0x2300];
	v6 =	vsub.f32 v16, v6;
	v16 =	vmul.f32 v4, v4;
	v20 =	vmul.f32 v5, v5  }
0xe5: {  	v25 =	vsub.f32 v17, v23;
	v22 =	vld [tilespmem:s22+$0x2680];
	v12 =	vmul.f32 v18, v12;
	v10 =	vsub.f32 $1.500000000e+00, v10  }
0xe6: {  	v17 =	vmul.f32 v6, v6;
	v14 =	vsub.f32 v14, v15;
	v16 =	vadd.f32 v20, v16  }
0xe7: {  	v18 =	vsub.f32 v21, v24;
	v20 =	vmul.f32 v12, v19;
	v7 =	vmul.f32 v10, v7  }
0xe8: {  	v10 =	vsub.f32 v9, v23;
	v9 =	vadd.f32 v16, v17  }
0xe9: {  	v13 =	vsub.f32 v13, v15;
	v15 =	vmul.f32 v20, v12;
	v8 =	vmul.f32 v7, v8  }
0xea: {  	s23 =	simm.s32 $0x40;
	v17 =	vsub.f32 v22, v24;
	v20 =	vmul.f32 v10, v14;
	v9 =	vmax.f32 v9, $1.000000020e-24  }
0xeb: {  	v24 =	vld [tilespmem:s23+$0xA80];
	v16 =	vshrl.u32 v9, $0x1;
	v9 =	vmul.f32 $5.000000000e-01, v9;
	v21 =	vsub.f32 $1.500000000e+00, v15;
	[tilespmem:s19+$0x3100] =	vst v8  }
0xec: {  	v14 =	vmul.f32 v17, v14;
	v10 =	vmul.f32 v10, v18;
	v27 =	vsub.s32 $0x5F3759DF, v16;
	v26 =	vld [tilespmem:s23+$0xE00]  }
0xed: {  	v15 =	vld [tilespmem:s23+$0x1180];
	v22 =	vmul.f32 v27, v9;
	v12 =	vmul.f32 v21, v12  }
0xee: {  	v8 =	vmul.f32 v13, v18;
	v16 =	vld [tilespmem:s23+$0x1500];
	v21 =	vmul.f32 v17, v25  }
0xef: {  	v17 =	vld [tilespmem:s23+$0x1880];
	v22 =	vmul.f32 v27, v22;
	v19 =	vmul.f32 v12, v19  }
0xf0: {  	v13 =	vmul.f32 v13, v25;
	v18 =	vld [tilespmem:s23+$0x1C00];
	v8 =	vsub.f32 v8, v14;
	v10 =	vsub.f32 v21, v10  }
0xf1: {  	v28 =	vmul.f32 v7, v11;
	v21 =	vld [tilespmem:s23+$0x1F80];
	v25 =	vsub.f32 $1.500000000e+00, v22;
	v19 =	vmul.f32 v19, v12  }
0xf2: {  	v11 =	vsub.f32 v20, v13;
	v29 =	vmul.f32 v8, v8;
	v22 =	vld [tilespmem:s23+$0x2300];
	v30 =	vmul.f32 v10, v10  }
0xf3: {  	v23 =	vld [tilespmem:s23+$0x2680];
	v14 =	vsub.f32 v24, v16;
	v13 =	vmul.f32 v27, v25;
	v19 =	vsub.f32 $1.500000000e+00, v19  }
0xf4: {  	s24 =	simm.s32 $0x140;
	[tilespmem:s19+$0x2A00] =	vst v28;
	v20 =	vsub.f32 v26, v17;
	v24 =	vadd.f32 v30, v29;
	v25 =	vmul.f32 v11, v11  }
.LBB2_10:
0xf5: {  	p3 =	sne.s32 s24, $0xC40;
	v26 =	vsub.f32 v15, v18;
	v15 =	vmul.f32 v13, v9;
	v12 =	vmul.f32 v19, v12  }
0xf6: {  	v19 =	vsub.f32 v21, v16;
	v16 =	vadd.f32 v24, v25;
	v21 =	vmul.f32 v7, v0;
	v0 =	vmovc v2  }
0xf7: {  	v22 =	vsub.f32 v22, v17;
	v15 =	vmul.f32 v15, v13;
	v25 =	vmul.f32 v12, v3;
	v7 =	vmovc v12  }
0xf8: {  	s25 =	sshra.s32 s24, $0x2;
	v17 =	vsub.f32 v23, v18;
	v2 =	vmovc v5;
	v23 =	vmul.f32 v19, v20;
	v12 =	vmax.f32 v16, $1.000000020e-24;
	[tilespmem:s19+$0x2D80] =	vst v21;
	s19 =	smov.u32 s20;
	s20 =	smov.u32 s21  }
0xf9: {  	v5 =	vmovc v10;
	v3 =	vmovc v6;
	v16 =	vshrl.u32 v12, $0x1;
	v18 =	vmul.f32 $5.000000000e-01, v12;
	s21 =	smov.u32 s22;
	s22 =	smov.u32 s23;
	s23 =	smov.u32 s25;
	v24 =	vld [tilespmem:s25+$0xA80];
	v12 =	vsub.f32 $1.500000000e+00, v15;
	[tilespmem:s19+$0x3100] =	vst v25  }
0xfa: {  	v10 =	vmul.f32 v22, v26;
	v20 =	vmul.f32 v17, v20;
	v6 =	vmovc v11;
	v27 =	vsub.s32 $0x5F3759DF, v16;
	v25 =	vld [tilespmem:s23+$0xE00]  }
0xfb: {  	v11 =	vmul.f32 v27, v18;
	v15 =	vld [tilespmem:s23+$0x1180];
	v12 =	vmul.f32 v12, v13  }
0xfc: {  	v19 =	vmul.f32 v19, v26;
	v13 =	vmul.f32 v17, v14;
	v16 =	vld [tilespmem:s23+$0x1500]  }
0xfd: {  	v11 =	vmul.f32 v27, v11;
	v17 =	vld [tilespmem:s23+$0x1880];
	v26 =	vmul.f32 v12, v9;
	v9 =	vmov v18  }
.Ltmp11:
0xfe: {  	v20 =	vsub.f32 v10, v20;
	v10 =	vsub.f32 v13, v19;
	v13 =	vmul.f32 v22, v14;
	v18 =	vld [tilespmem:s23+$0x1C00];
	(pc) =	sbr.rel @p3 .LBB2_10-.Ltmp11, $4  }
0xff: {  	v28 =	vmul.f32 v7, v1;
	v1 =	vmovc v4;
	v4 =	vmovc v8;
	v19 =	vsub.f32 $1.500000000e+00, v11;
	v21 =	vld [tilespmem:s23+$0x1F80];
	v26 =	vmul.f32 v26, v12  }
0x100: {  	v29 =	vmul.f32 v20, v20;
	v8 =	vmovc v20;
	v11 =	vsub.f32 v23, v13;
	v30 =	vmul.f32 v10, v10;
	v22 =	vld [tilespmem:s23+$0x2300]  }
0x101: {  	v13 =	vmul.f32 v27, v19;
	v23 =	vld [tilespmem:s23+$0x2680];
	v14 =	vsub.f32 v24, v16;
	v19 =	vsub.f32 $1.500000000e+00, v26;
	[tilespmem:s19+$0x2A00] =	vst v28  }
0x102: {  	s24 =	sadd.s32 $0x40, s24;
	v24 =	vadd.f32 v30, v29;
	v20 =	vsub.f32 v25, v17;
	v25 =	vmul.f32 v11, v11  }
.Ltmp12:
0x103: {  	_ = 	snop;
	(pc) =	sbr.rel .LBB2_11-.Ltmp12, $1  }
0x104: {  	_ =	sdelay $0x3  }
.LBB2_15:
0x105: {  	_ =	sfence.sel $0x180000  }
0x106: {  	[bflag:$0x0] =	sbarrier.arrive $0xFFFF  }
0x107: {  	_ =	strace $0x90000047  }
0x108: {  	[bflag:$0x2] =	sbarrier.arrive $0xFFFF  }
0x109: {  	p0 =	sne.s32 s8, $0x0;
	s0 =	rddreg [dreg:$0x5]  }
0x10a: {  	s0 =	sadd.s32 @!p0 $0x100000, s0  }
0x10b: {  	[sflag:s0] =	ssyncadd.tile.s32 @!p0 $0x1;
	_ =	shalt  }
.Lfunc_end2:
_tile_overlayer_lowered:
.L_overlay_start_2:
0x10c: {  	(tag) =	ssettag $0x2  }
0x10d: {  	s0 =	rddreg [dreg:$0x0];
	s2 =	stileid.u32  }
0x10e: {  	s1 =	rddreg [dreg:$0x1];
	p0 =	sne.s32 s2, $0x0  }
0x10f: {  	s3 =	rddreg [dreg:$0x2];
	[bflag:$0x3] =	sbarrier.arrive $0xFFFF;
	s2 =	simm.s32 @!p0 $0x1C02  }
0x110: {  	[timem:s3], [sflag:s2] =	dma.local @!p0 [hbm:s0], s1  }
0x111: {  	s0 =	simm.s32 @!p0 $0x2  }
0x112: {  	_ =	swait.ge @!p0 [sflag:s0], s1  }
0x113: {  	s1 =	ssub.s32 @!p0 $0x0, s1;
	[sflag:s0] =	ssyncset.done @!p0 $0x0  }
0x114: {  	[sflag:s0] =	ssyncadd.s32 @!p0 s1  }
0x115: {  	[bflag:$0x3] =	sbarrier.arrive $0xFFFF  }
0x116: {  	_ =	shalt  }

</sc_bundles>
